<compile_context>
chip_gen: v7x
topology: tpu7x:2x2x1
jax: 0.10.2.dev20260603
libtpu: 0.0.44.dev20260713+nightly
codegen_flags: <defaults>
</compile_context>

<pallas_src>
import functools

import jax
import jax.numpy as jnp
from jax import lax
from jax.experimental import pallas as pl
from jax.experimental.pallas import tpu as pltpu
from jax.experimental.pallas import tpu_sc as plsc

_NC = 2
_NS = 16
_L = 16
_XCHUNK = 4096


def _make_gather_kernel(B, V, D):
    nw = _NC * _NS
    d_per_w = D // nw
    n_chunks = B // _XCHUNK
    mesh = plsc.VectorSubcoreMesh(core_axis_name="c", subcore_axis_name="s")

    @functools.partial(
        pl.kernel,
        out_type=jax.ShapeDtypeStruct((D, B), jnp.float32),
        mesh=mesh,
        scratch_types=[
            pltpu.VMEM((V,), jnp.float32),
            pltpu.VMEM((B,), jnp.int32),
            pltpu.VMEM((_XCHUNK,), jnp.float32),
            pltpu.VMEM((_XCHUNK,), jnp.float32),
            pltpu.SemaphoreType.DMA,
            pltpu.SemaphoreType.DMA,
            pltpu.SemaphoreType.DMA,
        ],
        compiler_params=pltpu.CompilerParams(needs_layout_passes=False),
    )
    def gather_kernel(x_hbm, t_hbm, g_hbm, row_v, x_v, o0, o1, sem0, sem1,
                      sem_row):
        wid = lax.axis_index("s") * _NC + lax.axis_index("c")
        d0 = wid * d_per_w
        obufs = (o0, o1)
        sems = (sem0, sem1)

        cp_row = pltpu.async_copy(t_hbm.at[d0], row_v, sem_row)
        pltpu.sync_copy(x_hbm, x_v)

        pending = []

        def scan_chunk(buf, chunk):
            base = chunk * _XCHUNK

            @plsc.parallel_loop(0, _XCHUNK // _L, unroll=16)
            def body(j):
                idx = x_v[pl.ds(base + j * _L, _L)]
                buf[pl.ds(j * _L, _L)] = plsc.load_gather(row_v, [idx])

        for k in range(d_per_w):
            d = d0 + k
            if k > 0:
                cp_row = pltpu.async_copy(t_hbm.at[d], row_v, sem_row)
            cp_row.wait()
            for chunk in range(n_chunks):
                slot = (k * n_chunks + chunk) % 2
                if len(pending) >= 2:
                    pending.pop(0).wait()
                scan_chunk(obufs[slot], chunk)
                cp = pltpu.async_copy(
                    obufs[slot], g_hbm.at[d, pl.ds(chunk * _XCHUNK, _XCHUNK)],
                    sems[slot],
                )
                pending.append(cp)
        for cp in pending:
            cp.wait()

    return gather_kernel


def _ln_block(g_ref, gamma_ref, beta_ref, o_ref):
    g = g_ref[...]
    mean = jnp.mean(g, axis=0, keepdims=True)
    var = jnp.mean(g * g, axis=0, keepdims=True) - mean * mean
    rstd = lax.rsqrt(var + jnp.float32(1e-5))
    o_ref[...] = (g - mean) * rstd * gamma_ref[...] + beta_ref[...]


def _make_ln_kernel(B, D, blk=8192):
    grid = (B // blk,)
    return pl.pallas_call(
        _ln_block,
        grid=grid,
        in_specs=[
            pl.BlockSpec((D, blk), lambda i: (0, i)),
            pl.BlockSpec((D, 1), lambda i: (0, 0)),
            pl.BlockSpec((D, 1), lambda i: (0, 0)),
        ],
        out_specs=pl.BlockSpec((D, blk), lambda i: (0, i)),
        out_shape=jax.ShapeDtypeStruct((D, B), jnp.float32),
    )


def kernel(x, table, gamma, beta):
    B = x.shape[0]
    V, D = table.shape
    gathered = _make_gather_kernel(B, V, D)(x.astype(jnp.int32), table.T)
    out_t = _make_ln_kernel(B, D)(
        gathered, gamma.reshape(D, 1), beta.reshape(D, 1)
    )
    return out_t.T

# --- scband reference (transcript-rebuilt; emitter-appended) ---
"""Pipeline reference for scband-batch-label-encoder-75935021793445 (READ-ONLY COPY).

The authoritative reference and input builder live on the scoring server;
editing this copy changes nothing except your own understanding.
"""

import jax, jax.numpy as jnp
import numpy as np

NUM_EMBEDDINGS = 100000
EMBED_DIM = 64
BATCH = 16384


def setup_inputs(seed: int = 0) -> dict:
    key = jax.random.key(seed)
    k1, k2 = jax.random.split(key, 2)
    x = jax.random.randint(k1, (BATCH,), 0, NUM_EMBEDDINGS)
    table = jax.random.normal(k2, (NUM_EMBEDDINGS, EMBED_DIM), dtype=jnp.float32)
    gamma = jnp.ones((EMBED_DIM,), dtype=jnp.float32)
    beta = jnp.zeros((EMBED_DIM,), dtype=jnp.float32)
    return {"x": x, "table": table, "gamma": gamma, "beta": beta}


def reference(x, table, gamma, beta):
    # Embedding lookup (gather)
    emb = jnp.take(table, x, axis=0)
    # LayerNorm over last dim (eps matches torch default 1e-5)
    mean = jnp.mean(emb, axis=-1, keepdims=True)
    var = jnp.var(emb, axis=-1, keepdims=True)
    normed = (emb - mean) / jnp.sqrt(var + 1e-5)
    return normed * gamma + beta

if __name__ == "__main__":
    import jax
    _d = setup_inputs()
    print(jax.jit(kernel)(*tuple(_d.values())))

</pallas_src>

<mosaic_0001>
#map = affine_map<(d0, d1) -> (0)>
#map1 = affine_map<(d0, d1) -> (0, 0)>
module attributes {stable_mosaic.version = 14 : i64} {
  func.func @gather_kernel(%arg0: i32, %arg1: i32, %arg2: memref<16384xi32, #tpu.memory_space<hbm>>, %arg3: memref<64x100000xf32, #tpu.memory_space<hbm>>, %arg4: memref<64x16384xf32, #tpu.memory_space<hbm>>, %arg5: memref<100000xf32, #tpu.memory_space<vmem>>, %arg6: memref<16384xi32, #tpu.memory_space<vmem>>, %arg7: memref<4096xf32, #tpu.memory_space<vmem>>, %arg8: memref<4096xf32, #tpu.memory_space<vmem>>, %arg9: memref<!tpu.dma_semaphore, #tpu.memory_space<semaphore_mem>>, %arg10: memref<!tpu.dma_semaphore, #tpu.memory_space<semaphore_mem>>, %arg11: memref<!tpu.dma_semaphore, #tpu.memory_space<semaphore_mem>>) attributes {dimension_semantics = [#tpu.dimension_semantics<core_parallel>, #tpu.dimension_semantics<subcore_parallel>], iteration_bounds = array<i64: 2, 16>, scalar_prefetch = 0 : i64, scratch_operands = 7 : i64, tpu.core_type = #tpu.core_type<sc_vector_subcore>, window_params = [{transform_indices = #map}, {transform_indices = #map1}, {transform_indices = #map1}]} {
    %mul3A = arith.constant 2 : i32
    %mul3A_0 = arith.muli %arg1, %mul3A : i32
    %add3A = arith.addi %mul3A_0, %arg0 : i32
    %mul3A_1 = arith.constant 2 : i32
    %mul3A_2 = arith.muli %add3A, %mul3A_1 : i32
    %dma_start3A = arith.constant 0 : i32
    %dma_start3A_3 = tpu.memref_slice %arg3[%mul3A_2, %dma_start3A] : memref<64x100000xf32, #tpu.memory_space<hbm>> -> memref<1x100000xf32, #tpu.memory_space<hbm>>
    %dma_start3A_4 = tpu.memref_squeeze %dma_start3A_3 : memref<1x100000xf32, #tpu.memory_space<hbm>> -> memref<100000xf32, #tpu.memory_space<hbm>>
    %dma_start3A_5 = arith.constant 0 : i32
    %dma_start3A_6 = tpu.memref_slice %arg3[%mul3A_2, %dma_start3A_5] : memref<64x100000xf32, #tpu.memory_space<hbm>> -> memref<1x100000xf32, #tpu.memory_space<hbm>>
    %dma_start3A_7 = tpu.memref_squeeze %dma_start3A_6 : memref<1x100000xf32, #tpu.memory_space<hbm>> -> memref<100000xf32, #tpu.memory_space<hbm>>
    tpu.enqueue_dma source(%dma_start3A_7 : memref<100000xf32, #tpu.memory_space<hbm>>) target(%arg5 : memref<100000xf32, #tpu.memory_space<vmem>>) target_semaphore(%arg11 : memref<!tpu.dma_semaphore, #tpu.memory_space<semaphore_mem>>)
    "tpu.region"() ({
      %run_scoped3A = tpu.sem_alloc : memref<!tpu.dma_semaphore, #tpu.memory_space<semaphore_mem>>
      tpu.enqueue_dma source(%arg2 : memref<16384xi32, #tpu.memory_space<hbm>>) target(%arg6 : memref<16384xi32, #tpu.memory_space<vmem>>) target_semaphore(%run_scoped3A : memref<!tpu.dma_semaphore, #tpu.memory_space<semaphore_mem>>)
      tpu.wait_dma2 semaphore(%run_scoped3A : memref<!tpu.dma_semaphore, #tpu.memory_space<semaphore_mem>>) src(%arg2 : memref<16384xi32, #tpu.memory_space<hbm>>) dst(%arg6 : memref<16384xi32, #tpu.memory_space<vmem>>)
      tpu.yield
    }) : () -> ()
    %add3A_8 = arith.constant 0 : i32
    %add3A_9 = arith.addi %mul3A_2, %add3A_8 : i32
    %dma_wait3A = arith.constant 0 : i32
    %dma_wait3A_10 = tpu.memref_slice %arg3[%mul3A_2, %dma_wait3A] : memref<64x100000xf32, #tpu.memory_space<hbm>> -> memref<1x100000xf32, #tpu.memory_space<hbm>>
    %dma_wait3A_11 = tpu.memref_squeeze %dma_wait3A_10 : memref<1x100000xf32, #tpu.memory_space<hbm>> -> memref<100000xf32, #tpu.memory_space<hbm>>
    %dma_wait3A_12 = arith.constant 0 : i32
    %dma_wait3A_13 = tpu.memref_slice %arg3[%mul3A_2, %dma_wait3A_12] : memref<64x100000xf32, #tpu.memory_space<hbm>> -> memref<1x100000xf32, #tpu.memory_space<hbm>>
    %dma_wait3A_14 = tpu.memref_squeeze %dma_wait3A_13 : memref<1x100000xf32, #tpu.memory_space<hbm>> -> memref<100000xf32, #tpu.memory_space<hbm>>
    tpu.wait_dma2 semaphore(%arg11 : memref<!tpu.dma_semaphore, #tpu.memory_space<semaphore_mem>>) src(%dma_wait3A_14 : memref<100000xf32, #tpu.memory_space<hbm>>) dst(%arg5 : memref<100000xf32, #tpu.memory_space<vmem>>)
    %parallel_loop3A = arith.constant 0 : i32
    %parallel_loop3A_15 = arith.constant 256 : i32
    %parallel_loop3A_16 = arith.constant 1 : i32
    scf.for %parallel_loop3A_148 = %parallel_loop3A to %parallel_loop3A_15 step %parallel_loop3A_16  : i32 {
      %parallel_loop3A_149 = arith.constant 16 : i32
      %parallel_loop3A_150 = arith.muli %parallel_loop3A_148, %parallel_loop3A_149 : i32
      %parallel_loop3A_151 = arith.constant 0 : i32
      %parallel_loop3A_152 = arith.addi %parallel_loop3A_151, %parallel_loop3A_150 : i32
      %parallel_loop3A_153 = arith.index_cast %parallel_loop3A_152 : i32 to index
      %parallel_loop3A_154 = tpu.vector_load %arg6[%parallel_loop3A_153] {strides = array<i32>} : memref<16384xi32, #tpu.memory_space<vmem>>, vector<16xi32>,
      %parallel_loop3A_155 = tpu.vector_load_idx %arg5[%parallel_loop3A_154] : memref<100000xf32, #tpu.memory_space<vmem>>[vector<16xi32>], vector<16xf32>,
      %parallel_loop3A_156 = arith.constant 16 : i32
      %parallel_loop3A_157 = arith.muli %parallel_loop3A_148, %parallel_loop3A_156 : i32
      %parallel_loop3A_158 = arith.index_cast %parallel_loop3A_157 : i32 to index
      %parallel_loop3A_159 = tpu.vector_load %arg7[%parallel_loop3A_158] {strides = array<i32>} : memref<4096xf32, #tpu.memory_space<vmem>>, vector<16xf32>,
      tpu.vector_store %arg7[%parallel_loop3A_158], %parallel_loop3A_155 {strides = array<i32>} : memref<4096xf32, #tpu.memory_space<vmem>>, vector<16xf32>,
    } {sc.loop_unroll_factor = 16 : i64, sc.parallel_access}
    %dma_start3A_17 = arith.constant 0 : i32
    %dma_start3A_18 = tpu.memref_slice %arg4[%add3A_9, %dma_start3A_17] : memref<64x16384xf32, #tpu.memory_space<hbm>> -> memref<1x4096xf32, #tpu.memory_space<hbm>>
    %dma_start3A_19 = tpu.memref_squeeze %dma_start3A_18 : memref<1x4096xf32, #tpu.memory_space<hbm>> -> memref<4096xf32, #tpu.memory_space<hbm>>
    %dma_start3A_20 = arith.constant 0 : i32
    %dma_start3A_21 = tpu.memref_slice %arg4[%add3A_9, %dma_start3A_20] : memref<64x16384xf32, #tpu.memory_space<hbm>> -> memref<1x4096xf32, #tpu.memory_space<hbm>>
    %dma_start3A_22 = tpu.memref_squeeze %dma_start3A_21 : memref<1x4096xf32, #tpu.memory_space<hbm>> -> memref<4096xf32, #tpu.memory_space<hbm>>
    tpu.enqueue_dma source(%arg7 : memref<4096xf32, #tpu.memory_space<vmem>>) target(%dma_start3A_22 : memref<4096xf32, #tpu.memory_space<hbm>>) target_semaphore(%arg9 : memref<!tpu.dma_semaphore, #tpu.memory_space<semaphore_mem>>)
    %parallel_loop3A_23 = arith.constant 0 : i32
    %parallel_loop3A_24 = arith.constant 256 : i32
    %parallel_loop3A_25 = arith.constant 1 : i32
    scf.for %parallel_loop3A_148 = %parallel_loop3A_23 to %parallel_loop3A_24 step %parallel_loop3A_25  : i32 {
      %parallel_loop3A_149 = arith.constant 16 : i32
      %parallel_loop3A_150 = arith.muli %parallel_loop3A_148, %parallel_loop3A_149 : i32
      %parallel_loop3A_151 = arith.constant 4096 : i32
      %parallel_loop3A_152 = arith.addi %parallel_loop3A_151, %parallel_loop3A_150 : i32
      %parallel_loop3A_153 = arith.index_cast %parallel_loop3A_152 : i32 to index
      %parallel_loop3A_154 = tpu.vector_load %arg6[%parallel_loop3A_153] {strides = array<i32>} : memref<16384xi32, #tpu.memory_space<vmem>>, vector<16xi32>,
      %parallel_loop3A_155 = tpu.vector_load_idx %arg5[%parallel_loop3A_154] : memref<100000xf32, #tpu.memory_space<vmem>>[vector<16xi32>], vector<16xf32>,
      %parallel_loop3A_156 = arith.constant 16 : i32
      %parallel_loop3A_157 = arith.muli %parallel_loop3A_148, %parallel_loop3A_156 : i32
      %parallel_loop3A_158 = arith.index_cast %parallel_loop3A_157 : i32 to index
      %parallel_loop3A_159 = tpu.vector_load %arg8[%parallel_loop3A_158] {strides = array<i32>} : memref<4096xf32, #tpu.memory_space<vmem>>, vector<16xf32>,
      tpu.vector_store %arg8[%parallel_loop3A_158], %parallel_loop3A_155 {strides = array<i32>} : memref<4096xf32, #tpu.memory_space<vmem>>, vector<16xf32>,
    } {sc.loop_unroll_factor = 16 : i64, sc.parallel_access}
    %dma_start3A_26 = arith.constant 4096 : i32
    %dma_start3A_27 = tpu.memref_slice %arg4[%add3A_9, %dma_start3A_26] : memref<64x16384xf32, #tpu.memory_space<hbm>> -> memref<1x4096xf32, #tpu.memory_space<hbm>>
    %dma_start3A_28 = tpu.memref_squeeze %dma_start3A_27 : memref<1x4096xf32, #tpu.memory_space<hbm>> -> memref<4096xf32, #tpu.memory_space<hbm>>
    %dma_start3A_29 = arith.constant 4096 : i32
    %dma_start3A_30 = tpu.memref_slice %arg4[%add3A_9, %dma_start3A_29] : memref<64x16384xf32, #tpu.memory_space<hbm>> -> memref<1x4096xf32, #tpu.memory_space<hbm>>
    %dma_start3A_31 = tpu.memref_squeeze %dma_start3A_30 : memref<1x4096xf32, #tpu.memory_space<hbm>> -> memref<4096xf32, #tpu.memory_space<hbm>>
    tpu.enqueue_dma source(%arg8 : memref<4096xf32, #tpu.memory_space<vmem>>) target(%dma_start3A_31 : memref<4096xf32, #tpu.memory_space<hbm>>) target_semaphore(%arg10 : memref<!tpu.dma_semaphore, #tpu.memory_space<semaphore_mem>>)
    %dma_wait3A_32 = arith.constant 0 : i32
    %dma_wait3A_33 = tpu.memref_slice %arg4[%add3A_9, %dma_wait3A_32] : memref<64x16384xf32, #tpu.memory_space<hbm>> -> memref<1x4096xf32, #tpu.memory_space<hbm>>
    %dma_wait3A_34 = tpu.memref_squeeze %dma_wait3A_33 : memref<1x4096xf32, #tpu.memory_space<hbm>> -> memref<4096xf32, #tpu.memory_space<hbm>>
    %dma_wait3A_35 = arith.constant 0 : i32
    %dma_wait3A_36 = tpu.memref_slice %arg4[%add3A_9, %dma_wait3A_35] : memref<64x16384xf32, #tpu.memory_space<hbm>> -> memref<1x4096xf32, #tpu.memory_space<hbm>>
    %dma_wait3A_37 = tpu.memref_squeeze %dma_wait3A_36 : memref<1x4096xf32, #tpu.memory_space<hbm>> -> memref<4096xf32, #tpu.memory_space<hbm>>
    tpu.wait_dma2 semaphore(%arg9 : memref<!tpu.dma_semaphore, #tpu.memory_space<semaphore_mem>>) src(%arg7 : memref<4096xf32, #tpu.memory_space<vmem>>) dst(%dma_wait3A_37 : memref<4096xf32, #tpu.memory_space<hbm>>)
    %parallel_loop3A_38 = arith.constant 0 : i32
    %parallel_loop3A_39 = arith.constant 256 : i32
    %parallel_loop3A_40 = arith.constant 1 : i32
    scf.for %parallel_loop3A_148 = %parallel_loop3A_38 to %parallel_loop3A_39 step %parallel_loop3A_40  : i32 {
      %parallel_loop3A_149 = arith.constant 16 : i32
      %parallel_loop3A_150 = arith.muli %parallel_loop3A_148, %parallel_loop3A_149 : i32
      %parallel_loop3A_151 = arith.constant 8192 : i32
      %parallel_loop3A_152 = arith.addi %parallel_loop3A_151, %parallel_loop3A_150 : i32
      %parallel_loop3A_153 = arith.index_cast %parallel_loop3A_152 : i32 to index
      %parallel_loop3A_154 = tpu.vector_load %arg6[%parallel_loop3A_153] {strides = array<i32>} : memref<16384xi32, #tpu.memory_space<vmem>>, vector<16xi32>,
      %parallel_loop3A_155 = tpu.vector_load_idx %arg5[%parallel_loop3A_154] : memref<100000xf32, #tpu.memory_space<vmem>>[vector<16xi32>], vector<16xf32>,
      %parallel_loop3A_156 = arith.constant 16 : i32
      %parallel_loop3A_157 = arith.muli %parallel_loop3A_148, %parallel_loop3A_156 : i32
      %parallel_loop3A_158 = arith.index_cast %parallel_loop3A_157 : i32 to index
      %parallel_loop3A_159 = tpu.vector_load %arg7[%parallel_loop3A_158] {strides = array<i32>} : memref<4096xf32, #tpu.memory_space<vmem>>, vector<16xf32>,
      tpu.vector_store %arg7[%parallel_loop3A_158], %parallel_loop3A_155 {strides = array<i32>} : memref<4096xf32, #tpu.memory_space<vmem>>, vector<16xf32>,
    } {sc.loop_unroll_factor = 16 : i64, sc.parallel_access}
    %dma_start3A_41 = arith.constant 8192 : i32
    %dma_start3A_42 = tpu.memref_slice %arg4[%add3A_9, %dma_start3A_41] : memref<64x16384xf32, #tpu.memory_space<hbm>> -> memref<1x4096xf32, #tpu.memory_space<hbm>>
    %dma_start3A_43 = tpu.memref_squeeze %dma_start3A_42 : memref<1x4096xf32, #tpu.memory_space<hbm>> -> memref<4096xf32, #tpu.memory_space<hbm>>
    %dma_start3A_44 = arith.constant 8192 : i32
    %dma_start3A_45 = tpu.memref_slice %arg4[%add3A_9, %dma_start3A_44] : memref<64x16384xf32, #tpu.memory_space<hbm>> -> memref<1x4096xf32, #tpu.memory_space<hbm>>
    %dma_start3A_46 = tpu.memref_squeeze %dma_start3A_45 : memref<1x4096xf32, #tpu.memory_space<hbm>> -> memref<4096xf32, #tpu.memory_space<hbm>>
    tpu.enqueue_dma source(%arg7 : memref<4096xf32, #tpu.memory_space<vmem>>) target(%dma_start3A_46 : memref<4096xf32, #tpu.memory_space<hbm>>) target_semaphore(%arg9 : memref<!tpu.dma_semaphore, #tpu.memory_space<semaphore_mem>>)
    %dma_wait3A_47 = arith.constant 4096 : i32
    %dma_wait3A_48 = tpu.memref_slice %arg4[%add3A_9, %dma_wait3A_47] : memref<64x16384xf32, #tpu.memory_space<hbm>> -> memref<1x4096xf32, #tpu.memory_space<hbm>>
    %dma_wait3A_49 = tpu.memref_squeeze %dma_wait3A_48 : memref<1x4096xf32, #tpu.memory_space<hbm>> -> memref<4096xf32, #tpu.memory_space<hbm>>
    %dma_wait3A_50 = arith.constant 4096 : i32
    %dma_wait3A_51 = tpu.memref_slice %arg4[%add3A_9, %dma_wait3A_50] : memref<64x16384xf32, #tpu.memory_space<hbm>> -> memref<1x4096xf32, #tpu.memory_space<hbm>>
    %dma_wait3A_52 = tpu.memref_squeeze %dma_wait3A_51 : memref<1x4096xf32, #tpu.memory_space<hbm>> -> memref<4096xf32, #tpu.memory_space<hbm>>
    tpu.wait_dma2 semaphore(%arg10 : memref<!tpu.dma_semaphore, #tpu.memory_space<semaphore_mem>>) src(%arg8 : memref<4096xf32, #tpu.memory_space<vmem>>) dst(%dma_wait3A_52 : memref<4096xf32, #tpu.memory_space<hbm>>)
    %parallel_loop3A_53 = arith.constant 0 : i32
    %parallel_loop3A_54 = arith.constant 256 : i32
    %parallel_loop3A_55 = arith.constant 1 : i32
    scf.for %parallel_loop3A_148 = %parallel_loop3A_53 to %parallel_loop3A_54 step %parallel_loop3A_55  : i32 {
      %parallel_loop3A_149 = arith.constant 16 : i32
      %parallel_loop3A_150 = arith.muli %parallel_loop3A_148, %parallel_loop3A_149 : i32
      %parallel_loop3A_151 = arith.constant 12288 : i32
      %parallel_loop3A_152 = arith.addi %parallel_loop3A_151, %parallel_loop3A_150 : i32
      %parallel_loop3A_153 = arith.index_cast %parallel_loop3A_152 : i32 to index
      %parallel_loop3A_154 = tpu.vector_load %arg6[%parallel_loop3A_153] {strides = array<i32>} : memref<16384xi32, #tpu.memory_space<vmem>>, vector<16xi32>,
      %parallel_loop3A_155 = tpu.vector_load_idx %arg5[%parallel_loop3A_154] : memref<100000xf32, #tpu.memory_space<vmem>>[vector<16xi32>], vector<16xf32>,
      %parallel_loop3A_156 = arith.constant 16 : i32
      %parallel_loop3A_157 = arith.muli %parallel_loop3A_148, %parallel_loop3A_156 : i32
      %parallel_loop3A_158 = arith.index_cast %parallel_loop3A_157 : i32 to index
      %parallel_loop3A_159 = tpu.vector_load %arg8[%parallel_loop3A_158] {strides = array<i32>} : memref<4096xf32, #tpu.memory_space<vmem>>, vector<16xf32>,
      tpu.vector_store %arg8[%parallel_loop3A_158], %parallel_loop3A_155 {strides = array<i32>} : memref<4096xf32, #tpu.memory_space<vmem>>, vector<16xf32>,
    } {sc.loop_unroll_factor = 16 : i64, sc.parallel_access}
    %dma_start3A_56 = arith.constant 12288 : i32
    %dma_start3A_57 = tpu.memref_slice %arg4[%add3A_9, %dma_start3A_56] : memref<64x16384xf32, #tpu.memory_space<hbm>> -> memref<1x4096xf32, #tpu.memory_space<hbm>>
    %dma_start3A_58 = tpu.memref_squeeze %dma_start3A_57 : memref<1x4096xf32, #tpu.memory_space<hbm>> -> memref<4096xf32, #tpu.memory_space<hbm>>
    %dma_start3A_59 = arith.constant 12288 : i32
    %dma_start3A_60 = tpu.memref_slice %arg4[%add3A_9, %dma_start3A_59] : memref<64x16384xf32, #tpu.memory_space<hbm>> -> memref<1x4096xf32, #tpu.memory_space<hbm>>
    %dma_start3A_61 = tpu.memref_squeeze %dma_start3A_60 : memref<1x4096xf32, #tpu.memory_space<hbm>> -> memref<4096xf32, #tpu.memory_space<hbm>>
    tpu.enqueue_dma source(%arg8 : memref<4096xf32, #tpu.memory_space<vmem>>) target(%dma_start3A_61 : memref<4096xf32, #tpu.memory_space<hbm>>) target_semaphore(%arg10 : memref<!tpu.dma_semaphore, #tpu.memory_space<semaphore_mem>>)
    %add3A_62 = arith.constant 1 : i32
    %add3A_63 = arith.addi %mul3A_2, %add3A_62 : i32
    %dma_start3A_64 = arith.constant 0 : i32
    %dma_start3A_65 = tpu.memref_slice %arg3[%add3A_63, %dma_start3A_64] : memref<64x100000xf32, #tpu.memory_space<hbm>> -> memref<1x100000xf32, #tpu.memory_space<hbm>>
    %dma_start3A_66 = tpu.memref_squeeze %dma_start3A_65 : memref<1x100000xf32, #tpu.memory_space<hbm>> -> memref<100000xf32, #tpu.memory_space<hbm>>
    %dma_start3A_67 = arith.constant 0 : i32
    %dma_start3A_68 = tpu.memref_slice %arg3[%add3A_63, %dma_start3A_67] : memref<64x100000xf32, #tpu.memory_space<hbm>> -> memref<1x100000xf32, #tpu.memory_space<hbm>>
    %dma_start3A_69 = tpu.memref_squeeze %dma_start3A_68 : memref<1x100000xf32, #tpu.memory_space<hbm>> -> memref<100000xf32, #tpu.memory_space<hbm>>
    tpu.enqueue_dma source(%dma_start3A_69 : memref<100000xf32, #tpu.memory_space<hbm>>) target(%arg5 : memref<100000xf32, #tpu.memory_space<vmem>>) target_semaphore(%arg11 : memref<!tpu.dma_semaphore, #tpu.memory_space<semaphore_mem>>)
    %dma_wait3A_70 = arith.constant 0 : i32
    %dma_wait3A_71 = tpu.memref_slice %arg3[%add3A_63, %dma_wait3A_70] : memref<64x100000xf32, #tpu.memory_space<hbm>> -> memref<1x100000xf32, #tpu.memory_space<hbm>>
    %dma_wait3A_72 = tpu.memref_squeeze %dma_wait3A_71 : memref<1x100000xf32, #tpu.memory_space<hbm>> -> memref<100000xf32, #tpu.memory_space<hbm>>
    %dma_wait3A_73 = arith.constant 0 : i32
    %dma_wait3A_74 = tpu.memref_slice %arg3[%add3A_63, %dma_wait3A_73] : memref<64x100000xf32, #tpu.memory_space<hbm>> -> memref<1x100000xf32, #tpu.memory_space<hbm>>
    %dma_wait3A_75 = tpu.memref_squeeze %dma_wait3A_74 : memref<1x100000xf32, #tpu.memory_space<hbm>> -> memref<100000xf32, #tpu.memory_space<hbm>>
    tpu.wait_dma2 semaphore(%arg11 : memref<!tpu.dma_semaphore, #tpu.memory_space<semaphore_mem>>) src(%dma_wait3A_75 : memref<100000xf32, #tpu.memory_space<hbm>>) dst(%arg5 : memref<100000xf32, #tpu.memory_space<vmem>>)
    %dma_wait3A_76 = arith.constant 8192 : i32
    %dma_wait3A_77 = tpu.memref_slice %arg4[%add3A_9, %dma_wait3A_76] : memref<64x16384xf32, #tpu.memory_space<hbm>> -> memref<1x4096xf32, #tpu.memory_space<hbm>>
    %dma_wait3A_78 = tpu.memref_squeeze %dma_wait3A_77 : memref<1x4096xf32, #tpu.memory_space<hbm>> -> memref<4096xf32, #tpu.memory_space<hbm>>
    %dma_wait3A_79 = arith.constant 8192 : i32
    %dma_wait3A_80 = tpu.memref_slice %arg4[%add3A_9, %dma_wait3A_79] : memref<64x16384xf32, #tpu.memory_space<hbm>> -> memref<1x4096xf32, #tpu.memory_space<hbm>>
    %dma_wait3A_81 = tpu.memref_squeeze %dma_wait3A_80 : memref<1x4096xf32, #tpu.memory_space<hbm>> -> memref<4096xf32, #tpu.memory_space<hbm>>
    tpu.wait_dma2 semaphore(%arg9 : memref<!tpu.dma_semaphore, #tpu.memory_space<semaphore_mem>>) src(%arg7 : memref<4096xf32, #tpu.memory_space<vmem>>) dst(%dma_wait3A_81 : memref<4096xf32, #tpu.memory_space<hbm>>)
    %parallel_loop3A_82 = arith.constant 0 : i32
    %parallel_loop3A_83 = arith.constant 256 : i32
    %parallel_loop3A_84 = arith.constant 1 : i32
    scf.for %parallel_loop3A_148 = %parallel_loop3A_82 to %parallel_loop3A_83 step %parallel_loop3A_84  : i32 {
      %parallel_loop3A_149 = arith.constant 16 : i32
      %parallel_loop3A_150 = arith.muli %parallel_loop3A_148, %parallel_loop3A_149 : i32
      %parallel_loop3A_151 = arith.constant 0 : i32
      %parallel_loop3A_152 = arith.addi %parallel_loop3A_151, %parallel_loop3A_150 : i32
      %parallel_loop3A_153 = arith.index_cast %parallel_loop3A_152 : i32 to index
      %parallel_loop3A_154 = tpu.vector_load %arg6[%parallel_loop3A_153] {strides = array<i32>} : memref<16384xi32, #tpu.memory_space<vmem>>, vector<16xi32>,
      %parallel_loop3A_155 = tpu.vector_load_idx %arg5[%parallel_loop3A_154] : memref<100000xf32, #tpu.memory_space<vmem>>[vector<16xi32>], vector<16xf32>,
      %parallel_loop3A_156 = arith.constant 16 : i32
      %parallel_loop3A_157 = arith.muli %parallel_loop3A_148, %parallel_loop3A_156 : i32
      %parallel_loop3A_158 = arith.index_cast %parallel_loop3A_157 : i32 to index
      %parallel_loop3A_159 = tpu.vector_load %arg7[%parallel_loop3A_158] {strides = array<i32>} : memref<4096xf32, #tpu.memory_space<vmem>>, vector<16xf32>,
      tpu.vector_store %arg7[%parallel_loop3A_158], %parallel_loop3A_155 {strides = array<i32>} : memref<4096xf32, #tpu.memory_space<vmem>>, vector<16xf32>,
    } {sc.loop_unroll_factor = 16 : i64, sc.parallel_access}
    %dma_start3A_85 = arith.constant 0 : i32
    %dma_start3A_86 = tpu.memref_slice %arg4[%add3A_63, %dma_start3A_85] : memref<64x16384xf32, #tpu.memory_space<hbm>> -> memref<1x4096xf32, #tpu.memory_space<hbm>>
    %dma_start3A_87 = tpu.memref_squeeze %dma_start3A_86 : memref<1x4096xf32, #tpu.memory_space<hbm>> -> memref<4096xf32, #tpu.memory_space<hbm>>
    %dma_start3A_88 = arith.constant 0 : i32
    %dma_start3A_89 = tpu.memref_slice %arg4[%add3A_63, %dma_start3A_88] : memref<64x16384xf32, #tpu.memory_space<hbm>> -> memref<1x4096xf32, #tpu.memory_space<hbm>>
    %dma_start3A_90 = tpu.memref_squeeze %dma_start3A_89 : memref<1x4096xf32, #tpu.memory_space<hbm>> -> memref<4096xf32, #tpu.memory_space<hbm>>
    tpu.enqueue_dma source(%arg7 : memref<4096xf32, #tpu.memory_space<vmem>>) target(%dma_start3A_90 : memref<4096xf32, #tpu.memory_space<hbm>>) target_semaphore(%arg9 : memref<!tpu.dma_semaphore, #tpu.memory_space<semaphore_mem>>)
    %dma_wait3A_91 = arith.constant 12288 : i32
    %dma_wait3A_92 = tpu.memref_slice %arg4[%add3A_9, %dma_wait3A_91] : memref<64x16384xf32, #tpu.memory_space<hbm>> -> memref<1x4096xf32, #tpu.memory_space<hbm>>
    %dma_wait3A_93 = tpu.memref_squeeze %dma_wait3A_92 : memref<1x4096xf32, #tpu.memory_space<hbm>> -> memref<4096xf32, #tpu.memory_space<hbm>>
    %dma_wait3A_94 = arith.constant 12288 : i32
    %dma_wait3A_95 = tpu.memref_slice %arg4[%add3A_9, %dma_wait3A_94] : memref<64x16384xf32, #tpu.memory_space<hbm>> -> memref<1x4096xf32, #tpu.memory_space<hbm>>
    %dma_wait3A_96 = tpu.memref_squeeze %dma_wait3A_95 : memref<1x4096xf32, #tpu.memory_space<hbm>> -> memref<4096xf32, #tpu.memory_space<hbm>>
    tpu.wait_dma2 semaphore(%arg10 : memref<!tpu.dma_semaphore, #tpu.memory_space<semaphore_mem>>) src(%arg8 : memref<4096xf32, #tpu.memory_space<vmem>>) dst(%dma_wait3A_96 : memref<4096xf32, #tpu.memory_space<hbm>>)
    %parallel_loop3A_97 = arith.constant 0 : i32
    %parallel_loop3A_98 = arith.constant 256 : i32
    %parallel_loop3A_99 = arith.constant 1 : i32
    scf.for %parallel_loop3A_148 = %parallel_loop3A_97 to %parallel_loop3A_98 step %parallel_loop3A_99  : i32 {
      %parallel_loop3A_149 = arith.constant 16 : i32
      %parallel_loop3A_150 = arith.muli %parallel_loop3A_148, %parallel_loop3A_149 : i32
      %parallel_loop3A_151 = arith.constant 4096 : i32
      %parallel_loop3A_152 = arith.addi %parallel_loop3A_151, %parallel_loop3A_150 : i32
      %parallel_loop3A_153 = arith.index_cast %parallel_loop3A_152 : i32 to index
      %parallel_loop3A_154 = tpu.vector_load %arg6[%parallel_loop3A_153] {strides = array<i32>} : memref<16384xi32, #tpu.memory_space<vmem>>, vector<16xi32>,
      %parallel_loop3A_155 = tpu.vector_load_idx %arg5[%parallel_loop3A_154] : memref<100000xf32, #tpu.memory_space<vmem>>[vector<16xi32>], vector<16xf32>,
      %parallel_loop3A_156 = arith.constant 16 : i32
      %parallel_loop3A_157 = arith.muli %parallel_loop3A_148, %parallel_loop3A_156 : i32
      %parallel_loop3A_158 = arith.index_cast %parallel_loop3A_157 : i32 to index
      %parallel_loop3A_159 = tpu.vector_load %arg8[%parallel_loop3A_158] {strides = array<i32>} : memref<4096xf32, #tpu.memory_space<vmem>>, vector<16xf32>,
      tpu.vector_store %arg8[%parallel_loop3A_158], %parallel_loop3A_155 {strides = array<i32>} : memref<4096xf32, #tpu.memory_space<vmem>>, vector<16xf32>,
    } {sc.loop_unroll_factor = 16 : i64, sc.parallel_access}
    %dma_start3A_100 = arith.constant 4096 : i32
    %dma_start3A_101 = tpu.memref_slice %arg4[%add3A_63, %dma_start3A_100] : memref<64x16384xf32, #tpu.memory_space<hbm>> -> memref<1x4096xf32, #tpu.memory_space<hbm>>
    %dma_start3A_102 = tpu.memref_squeeze %dma_start3A_101 : memref<1x4096xf32, #tpu.memory_space<hbm>> -> memref<4096xf32, #tpu.memory_space<hbm>>
    %dma_start3A_103 = arith.constant 4096 : i32
    %dma_start3A_104 = tpu.memref_slice %arg4[%add3A_63, %dma_start3A_103] : memref<64x16384xf32, #tpu.memory_space<hbm>> -> memref<1x4096xf32, #tpu.memory_space<hbm>>
    %dma_start3A_105 = tpu.memref_squeeze %dma_start3A_104 : memref<1x4096xf32, #tpu.memory_space<hbm>> -> memref<4096xf32, #tpu.memory_space<hbm>>
    tpu.enqueue_dma source(%arg8 : memref<4096xf32, #tpu.memory_space<vmem>>) target(%dma_start3A_105 : memref<4096xf32, #tpu.memory_space<hbm>>) target_semaphore(%arg10 : memref<!tpu.dma_semaphore, #tpu.memory_space<semaphore_mem>>)
    %dma_wait3A_106 = arith.constant 0 : i32
    %dma_wait3A_107 = tpu.memref_slice %arg4[%add3A_63, %dma_wait3A_106] : memref<64x16384xf32, #tpu.memory_space<hbm>> -> memref<1x4096xf32, #tpu.memory_space<hbm>>
    %dma_wait3A_108 = tpu.memref_squeeze %dma_wait3A_107 : memref<1x4096xf32, #tpu.memory_space<hbm>> -> memref<4096xf32, #tpu.memory_space<hbm>>
    %dma_wait3A_109 = arith.constant 0 : i32
    %dma_wait3A_110 = tpu.memref_slice %arg4[%add3A_63, %dma_wait3A_109] : memref<64x16384xf32, #tpu.memory_space<hbm>> -> memref<1x4096xf32, #tpu.memory_space<hbm>>
    %dma_wait3A_111 = tpu.memref_squeeze %dma_wait3A_110 : memref<1x4096xf32, #tpu.memory_space<hbm>> -> memref<4096xf32, #tpu.memory_space<hbm>>
    tpu.wait_dma2 semaphore(%arg9 : memref<!tpu.dma_semaphore, #tpu.memory_space<semaphore_mem>>) src(%arg7 : memref<4096xf32, #tpu.memory_space<vmem>>) dst(%dma_wait3A_111 : memref<4096xf32, #tpu.memory_space<hbm>>)
    %parallel_loop3A_112 = arith.constant 0 : i32
    %parallel_loop3A_113 = arith.constant 256 : i32
    %parallel_loop3A_114 = arith.constant 1 : i32
    scf.for %parallel_loop3A_148 = %parallel_loop3A_112 to %parallel_loop3A_113 step %parallel_loop3A_114  : i32 {
      %parallel_loop3A_149 = arith.constant 16 : i32
      %parallel_loop3A_150 = arith.muli %parallel_loop3A_148, %parallel_loop3A_149 : i32
      %parallel_loop3A_151 = arith.constant 8192 : i32
      %parallel_loop3A_152 = arith.addi %parallel_loop3A_151, %parallel_loop3A_150 : i32
      %parallel_loop3A_153 = arith.index_cast %parallel_loop3A_152 : i32 to index
      %parallel_loop3A_154 = tpu.vector_load %arg6[%parallel_loop3A_153] {strides = array<i32>} : memref<16384xi32, #tpu.memory_space<vmem>>, vector<16xi32>,
      %parallel_loop3A_155 = tpu.vector_load_idx %arg5[%parallel_loop3A_154] : memref<100000xf32, #tpu.memory_space<vmem>>[vector<16xi32>], vector<16xf32>,
      %parallel_loop3A_156 = arith.constant 16 : i32
      %parallel_loop3A_157 = arith.muli %parallel_loop3A_148, %parallel_loop3A_156 : i32
      %parallel_loop3A_158 = arith.index_cast %parallel_loop3A_157 : i32 to index
      %parallel_loop3A_159 = tpu.vector_load %arg7[%parallel_loop3A_158] {strides = array<i32>} : memref<4096xf32, #tpu.memory_space<vmem>>, vector<16xf32>,
      tpu.vector_store %arg7[%parallel_loop3A_158], %parallel_loop3A_155 {strides = array<i32>} : memref<4096xf32, #tpu.memory_space<vmem>>, vector<16xf32>,
    } {sc.loop_unroll_factor = 16 : i64, sc.parallel_access}
    %dma_start3A_115 = arith.constant 8192 : i32
    %dma_start3A_116 = tpu.memref_slice %arg4[%add3A_63, %dma_start3A_115] : memref<64x16384xf32, #tpu.memory_space<hbm>> -> memref<1x4096xf32, #tpu.memory_space<hbm>>
    %dma_start3A_117 = tpu.memref_squeeze %dma_start3A_116 : memref<1x4096xf32, #tpu.memory_space<hbm>> -> memref<4096xf32, #tpu.memory_space<hbm>>
    %dma_start3A_118 = arith.constant 8192 : i32
    %dma_start3A_119 = tpu.memref_slice %arg4[%add3A_63, %dma_start3A_118] : memref<64x16384xf32, #tpu.memory_space<hbm>> -> memref<1x4096xf32, #tpu.memory_space<hbm>>
    %dma_start3A_120 = tpu.memref_squeeze %dma_start3A_119 : memref<1x4096xf32, #tpu.memory_space<hbm>> -> memref<4096xf32, #tpu.memory_space<hbm>>
    tpu.enqueue_dma source(%arg7 : memref<4096xf32, #tpu.memory_space<vmem>>) target(%dma_start3A_120 : memref<4096xf32, #tpu.memory_space<hbm>>) target_semaphore(%arg9 : memref<!tpu.dma_semaphore, #tpu.memory_space<semaphore_mem>>)
    %dma_wait3A_121 = arith.constant 4096 : i32
    %dma_wait3A_122 = tpu.memref_slice %arg4[%add3A_63, %dma_wait3A_121] : memref<64x16384xf32, #tpu.memory_space<hbm>> -> memref<1x4096xf32, #tpu.memory_space<hbm>>
    %dma_wait3A_123 = tpu.memref_squeeze %dma_wait3A_122 : memref<1x4096xf32, #tpu.memory_space<hbm>> -> memref<4096xf32, #tpu.memory_space<hbm>>
    %dma_wait3A_124 = arith.constant 4096 : i32
    %dma_wait3A_125 = tpu.memref_slice %arg4[%add3A_63, %dma_wait3A_124] : memref<64x16384xf32, #tpu.memory_space<hbm>> -> memref<1x4096xf32, #tpu.memory_space<hbm>>
    %dma_wait3A_126 = tpu.memref_squeeze %dma_wait3A_125 : memref<1x4096xf32, #tpu.memory_space<hbm>> -> memref<4096xf32, #tpu.memory_space<hbm>>
    tpu.wait_dma2 semaphore(%arg10 : memref<!tpu.dma_semaphore, #tpu.memory_space<semaphore_mem>>) src(%arg8 : memref<4096xf32, #tpu.memory_space<vmem>>) dst(%dma_wait3A_126 : memref<4096xf32, #tpu.memory_space<hbm>>)
    %parallel_loop3A_127 = arith.constant 0 : i32
    %parallel_loop3A_128 = arith.constant 256 : i32
    %parallel_loop3A_129 = arith.constant 1 : i32
    scf.for %parallel_loop3A_148 = %parallel_loop3A_127 to %parallel_loop3A_128 step %parallel_loop3A_129  : i32 {
      %parallel_loop3A_149 = arith.constant 16 : i32
      %parallel_loop3A_150 = arith.muli %parallel_loop3A_148, %parallel_loop3A_149 : i32
      %parallel_loop3A_151 = arith.constant 12288 : i32
      %parallel_loop3A_152 = arith.addi %parallel_loop3A_151, %parallel_loop3A_150 : i32
      %parallel_loop3A_153 = arith.index_cast %parallel_loop3A_152 : i32 to index
      %parallel_loop3A_154 = tpu.vector_load %arg6[%parallel_loop3A_153] {strides = array<i32>} : memref<16384xi32, #tpu.memory_space<vmem>>, vector<16xi32>,
      %parallel_loop3A_155 = tpu.vector_load_idx %arg5[%parallel_loop3A_154] : memref<100000xf32, #tpu.memory_space<vmem>>[vector<16xi32>], vector<16xf32>,
      %parallel_loop3A_156 = arith.constant 16 : i32
      %parallel_loop3A_157 = arith.muli %parallel_loop3A_148, %parallel_loop3A_156 : i32
      %parallel_loop3A_158 = arith.index_cast %parallel_loop3A_157 : i32 to index
      %parallel_loop3A_159 = tpu.vector_load %arg8[%parallel_loop3A_158] {strides = array<i32>} : memref<4096xf32, #tpu.memory_space<vmem>>, vector<16xf32>,
      tpu.vector_store %arg8[%parallel_loop3A_158], %parallel_loop3A_155 {strides = array<i32>} : memref<4096xf32, #tpu.memory_space<vmem>>, vector<16xf32>,
    } {sc.loop_unroll_factor = 16 : i64, sc.parallel_access}
    %dma_start3A_130 = arith.constant 12288 : i32
    %dma_start3A_131 = tpu.memref_slice %arg4[%add3A_63, %dma_start3A_130] : memref<64x16384xf32, #tpu.memory_space<hbm>> -> memref<1x4096xf32, #tpu.memory_space<hbm>>
    %dma_start3A_132 = tpu.memref_squeeze %dma_start3A_131 : memref<1x4096xf32, #tpu.memory_space<hbm>> -> memref<4096xf32, #tpu.memory_space<hbm>>
    %dma_start3A_133 = arith.constant 12288 : i32
    %dma_start3A_134 = tpu.memref_slice %arg4[%add3A_63, %dma_start3A_133] : memref<64x16384xf32, #tpu.memory_space<hbm>> -> memref<1x4096xf32, #tpu.memory_space<hbm>>
    %dma_start3A_135 = tpu.memref_squeeze %dma_start3A_134 : memref<1x4096xf32, #tpu.memory_space<hbm>> -> memref<4096xf32, #tpu.memory_space<hbm>>
    tpu.enqueue_dma source(%arg8 : memref<4096xf32, #tpu.memory_space<vmem>>) target(%dma_start3A_135 : memref<4096xf32, #tpu.memory_space<hbm>>) target_semaphore(%arg10 : memref<!tpu.dma_semaphore, #tpu.memory_space<semaphore_mem>>)
    %dma_wait3A_136 = arith.constant 8192 : i32
    %dma_wait3A_137 = tpu.memref_slice %arg4[%add3A_63, %dma_wait3A_136] : memref<64x16384xf32, #tpu.memory_space<hbm>> -> memref<1x4096xf32, #tpu.memory_space<hbm>>
    %dma_wait3A_138 = tpu.memref_squeeze %dma_wait3A_137 : memref<1x4096xf32, #tpu.memory_space<hbm>> -> memref<4096xf32, #tpu.memory_space<hbm>>
    %dma_wait3A_139 = arith.constant 8192 : i32
    %dma_wait3A_140 = tpu.memref_slice %arg4[%add3A_63, %dma_wait3A_139] : memref<64x16384xf32, #tpu.memory_space<hbm>> -> memref<1x4096xf32, #tpu.memory_space<hbm>>
    %dma_wait3A_141 = tpu.memref_squeeze %dma_wait3A_140 : memref<1x4096xf32, #tpu.memory_space<hbm>> -> memref<4096xf32, #tpu.memory_space<hbm>>
    tpu.wait_dma2 semaphore(%arg9 : memref<!tpu.dma_semaphore, #tpu.memory_space<semaphore_mem>>) src(%arg7 : memref<4096xf32, #tpu.memory_space<vmem>>) dst(%dma_wait3A_141 : memref<4096xf32, #tpu.memory_space<hbm>>)
    %dma_wait3A_142 = arith.constant 12288 : i32
    %dma_wait3A_143 = tpu.memref_slice %arg4[%add3A_63, %dma_wait3A_142] : memref<64x16384xf32, #tpu.memory_space<hbm>> -> memref<1x4096xf32, #tpu.memory_space<hbm>>
    %dma_wait3A_144 = tpu.memref_squeeze %dma_wait3A_143 : memref<1x4096xf32, #tpu.memory_space<hbm>> -> memref<4096xf32, #tpu.memory_space<hbm>>
    %dma_wait3A_145 = arith.constant 12288 : i32
    %dma_wait3A_146 = tpu.memref_slice %arg4[%add3A_63, %dma_wait3A_145] : memref<64x16384xf32, #tpu.memory_space<hbm>> -> memref<1x4096xf32, #tpu.memory_space<hbm>>
    %dma_wait3A_147 = tpu.memref_squeeze %dma_wait3A_146 : memref<1x4096xf32, #tpu.memory_space<hbm>> -> memref<4096xf32, #tpu.memory_space<hbm>>
    tpu.wait_dma2 semaphore(%arg10 : memref<!tpu.dma_semaphore, #tpu.memory_space<semaphore_mem>>) src(%arg8 : memref<4096xf32, #tpu.memory_space<vmem>>) dst(%dma_wait3A_147 : memref<4096xf32, #tpu.memory_space<hbm>>)
    return
  }
}

module attributes {stable_mosaic.version = 14 : i64} {
  func.func @_ln_block(%arg0: i32, %arg1: memref<64x8192xf32, #tpu.memory_space<vmem>>, %arg2: memref<64x1xf32, #tpu.memory_space<vmem>>, %arg3: memref<64x1xf32, #tpu.memory_space<vmem>>, %arg4: memref<64x8192xf32, #tpu.memory_space<vmem>>) attributes {dimension_semantics = [#tpu.dimension_semantics<arbitrary>], iteration_bounds = array<i64: 2>, scalar_prefetch = 0 : i64, scratch_operands = 0 : i64, tpu.core_type = #tpu.core_type<tc>, window_params = [{transform_indices = @transform_0, window_bounds = array<i64: 64, 8192>}, {pipeline_mode = #tpu.pipeline_mode<synchronous>, transform_indices = @transform_1, window_bounds = array<i64: 64, 1>}, {pipeline_mode = #tpu.pipeline_mode<synchronous>, transform_indices = @transform_2, window_bounds = array<i64: 64, 1>}, {transform_indices = @transform_3, window_bounds = array<i64: 64, 8192>}]} {
    %get3A = arith.constant 0 : index
    %get3A_0 = arith.constant 0 : index
    %get3A_1 = vector.load %arg1[%get3A, %get3A_0] : memref<64x8192xf32, #tpu.memory_space<vmem>>, vector<64x8192xf32>
    %reduce_sum3A = arith.constant dense<0.000000e+00> : vector<8192xf32>
    %reduce_sum3A_2 = vector.multi_reduction <add>, %get3A_1, %reduce_sum3A [0] : vector<64x8192xf32> to vector<8192xf32>
    %broadcast_in_dim3A = vector.shape_cast %reduce_sum3A_2 : vector<8192xf32> to vector<1x8192xf32>
    %div3A = arith.constant 6.400000e+01 : f32
    %div3A_3 = vector.broadcast %div3A : f32 to vector<1x8192xf32>
    %div3A_4 = arith.divf %broadcast_in_dim3A, %div3A_3 : vector<1x8192xf32>
    %mul3A = arith.mulf %get3A_1, %get3A_1 : vector<64x8192xf32>
    %reduce_sum3A_5 = arith.constant dense<0.000000e+00> : vector<8192xf32>
    %reduce_sum3A_6 = vector.multi_reduction <add>, %mul3A, %reduce_sum3A_5 [0] : vector<64x8192xf32> to vector<8192xf32>
    %broadcast_in_dim3A_7 = vector.shape_cast %reduce_sum3A_6 : vector<8192xf32> to vector<1x8192xf32>
    %div3A_8 = arith.constant 6.400000e+01 : f32
    %div3A_9 = vector.broadcast %div3A_8 : f32 to vector<1x8192xf32>
    %div3A_10 = arith.divf %broadcast_in_dim3A_7, %div3A_9 : vector<1x8192xf32>
    %mul3A_11 = arith.mulf %div3A_4, %div3A_4 : vector<1x8192xf32>
    %sub3A = arith.subf %div3A_10, %mul3A_11 : vector<1x8192xf32>
    %add3A = arith.constant 9.99999974E-6 : f32
    %add3A_12 = vector.broadcast %add3A : f32 to vector<1x8192xf32>
    %add3A_13 = arith.addf %sub3A, %add3A_12 : vector<1x8192xf32>
    %rsqrt3A = math.rsqrt %add3A_13 : vector<1x8192xf32>
    %sub3A_14 = vector.broadcast %div3A_4 : vector<1x8192xf32> to vector<64x8192xf32>
    %sub3A_15 = arith.subf %get3A_1, %sub3A_14 : vector<64x8192xf32>
    %mul3A_16 = vector.broadcast %rsqrt3A : vector<1x8192xf32> to vector<64x8192xf32>
    %mul3A_17 = arith.mulf %sub3A_15, %mul3A_16 : vector<64x8192xf32>
    %get3A_18 = arith.constant 0 : index
    %get3A_19 = arith.constant 0 : index
    %get3A_20 = vector.load %arg2[%get3A_18, %get3A_19] : memref<64x1xf32, #tpu.memory_space<vmem>>, vector<64x1xf32>
    %mul3A_21 = vector.broadcast %get3A_20 : vector<64x1xf32> to vector<64x8192xf32>
    %mul3A_22 = arith.mulf %mul3A_17, %mul3A_21 : vector<64x8192xf32>
    %get3A_23 = arith.constant 0 : index
    %get3A_24 = arith.constant 0 : index
    %get3A_25 = vector.load %arg3[%get3A_23, %get3A_24] : memref<64x1xf32, #tpu.memory_space<vmem>>, vector<64x1xf32>
    %add3A_26 = vector.broadcast %get3A_25 : vector<64x1xf32> to vector<64x8192xf32>
    %add3A_27 = arith.addf %mul3A_22, %add3A_26 : vector<64x8192xf32>
    %swap3A = arith.constant 0 : index
    %swap3A_28 = arith.constant 0 : index
    %swap3A_29 = vector.load %arg4[%swap3A, %swap3A_28] : memref<64x8192xf32, #tpu.memory_space<vmem>>, vector<64x8192xf32>
    tpu.vector_store %arg4[%swap3A, %swap3A_28], %add3A_27 {strides = array<i32>} : memref<64x8192xf32, #tpu.memory_space<vmem>>, vector<64x8192xf32>,
    return
  }
  func.func @transform_0(%arg0: i32) -> (i32, i32) {
    %c0_i32 = arith.constant 0 : i32
    %c0_i32_0 = arith.constant 0 : i32
    return %c0_i32, %arg0 : i32, i32
  }
  func.func @transform_1(%arg0: i32) -> (i32, i32) {
    %c0_i32 = arith.constant 0 : i32
    %c0_i32_0 = arith.constant 0 : i32
    %c0_i32_1 = arith.constant 0 : i32
    return %c0_i32, %c0_i32_0 : i32, i32
  }
  func.func @transform_2(%arg0: i32) -> (i32, i32) {
    %c0_i32 = arith.constant 0 : i32
    %c0_i32_0 = arith.constant 0 : i32
    %c0_i32_1 = arith.constant 0 : i32
    return %c0_i32, %c0_i32_0 : i32, i32
  }
  func.func @transform_3(%arg0: i32) -> (i32, i32) {
    %c0_i32 = arith.constant 0 : i32
    %c0_i32_0 = arith.constant 0 : i32
    return %c0_i32, %arg0 : i32, i32
  }
}

</mosaic_0001>

<sc_bundles>
// kernel: kernel.4.cloned.1.call-start
scs
__scs_entry_jumppad:
0x0: {  	(pc) =	sbr.rel $0x88, $3  }
0x1: {  	(tag) =	ssettag $0x0;
	lr =	simm.s32 $0x1  }
0x2: {  	[smem:$0x3F9D] =	sst lr;
	_ =	strace $0xD0000000  }
0x3: {  	_ = 	snop  }
0x4: {  	_ = 	snop  }
0x5: {  	_ = 	snop  }
0x6: {  	_ = 	snop  }
0x7: {  	_ = 	snop  }
__scs_overlays_trampoline_lowered:
0x8: {  	[smem:$0x3FAC] =	sst s0  }
0x9: {  	[smem:$0x3FAD] =	sst s1  }
0xa: {  	[smem:$0x3FAE] =	sst s2  }
0xb: {  	[smem:$0x3FAF] =	sst s3  }
0xc: {  	[smem:$0x3FB0] =	sst s4  }
0xd: {  	[smem:$0x3FB1] =	sst s5  }
0xe: {  	[smem:$0x3FB2] =	sst s6  }
0xf: {  	[smem:$0x3FB3] =	sst s7  }
0x10: {  	[smem:$0x3FB4] =	sst s8  }
0x11: {  	[smem:$0x3FB5] =	sst s9;
	s0 =	simm.s32 @!p0 $0x0  }
0x12: {  	s1 =	sld [smem:$0x3F9B];
	s0 =	simm.s32 @p0 $0x1  }
0x13: {  	[smem:$0x3FB6] =	sst s0;
	s0 =	simm.s32 @!p1 $0x0  }
0x14: {  	s2 =	sld [smem:$0x3F9A];
	s0 =	simm.s32 @p1 $0x1  }
0x15: {  	[smem:$0x3FB7] =	sst s0;
	s0 =	simm.s32 @!p2 $0x0  }
0x16: {  	s3 =	sld [smem:$0x3FDB];
	s0 =	simm.s32 @p2 $0x1  }
0x17: {  	s4 =	simm.s32 $0x1BF5;
	[smem:$0x3FB9] =	sst s0  }
0x18: {  	s0 =	sld [smem:$0x3F9C];
	_ =	swait.ge [sflag:s4], $0x0  }
0x19: {  	s7 =	sld [smem:$0x3F9D]  }
0x1a: {  	s8 =	sadd.s32 $0xFFFFE003, lr  }
0x1b: {  	s9 =	sadd.s32 $0xFFFFFEF7, lr;
	s5 =	simm.s32 $0xFFFFFFFF;
	p2 =	slt.u32 s8, $0xFFFFF086  }
0x1c: {  	p1 =	slt.u32 s9, $0xF7A;
	s5 =	simm.s32 @!p2 $0x0  }
0x1d: {  	s5 =	simm.s32 @p1 $0x1;
	p0 =	seq.s32 s7, s2  }
0x1e: {  	s7 =	smul.u32 @!p0 $0xF7A, s2;
	p2 =	seq.s32 @!p0 s5, $0x0  }
0x1f: {  	s9 =	smul.u32 $0xF7A, s1;
	s8 =	simm.s32 @!p0 $0x1BF5;
	p2 =	por !p2, p0  }
0x20: {  	[sflag:s8] =	ssyncset.s32 @!p0 $0xFFFFF086;
	s6 =	sadd.s32 @!p0 s3, s7;
	s7 =	simm.s32 @!p0 $0x108  }
0x21: {  	s3 =	sadd.s32 s3, s9;
	s6 =	sadd.s32 @!p0 $0x88, s6;
	s7 =	simm.s32 @p2 $0x1082  }
0x22: {  	[simem:s7], [sflag:s8] =	dma.local @!p0 [hbm:s6], $0xF7A  }
0x23: {  	s9 =	sor.u32 $0xD0000000, s2;
	s6 =	simm.s32 $0x108;
	_ =	swait.ge @!p0 [sflag:s8], $0x0  }
0x24: {  	s3 =	sadd.s32 $0x88, s3;
	s6 =	simm.s32 @!p1 $0x1082;
	[sflag:s4] =	ssyncset.s32 $0xFFFFF086  }
0x25: {  	[simem:s6], [sflag:s4] =	dma.local [hbm:s3], $0xF7A  }
0x26: {  	[smem:$0x3F9D] =	sst s1;
	(tag) =	ssettag s2;
	_ =	strace s9  }
0x27: {  	s1 =	sld [smem:$0x3FAD]  }
0x28: {  	s2 =	sld [smem:$0x3FAE]  }
0x29: {  	s4 =	sld [smem:$0x3FB0]  }
0x2a: {  	p0 =	seq.s32 s5, $0x0;
	s5 =	sld [smem:$0x3FB1]  }
0x2b: {  	s6 =	sld [smem:$0x3FB2]  }
0x2c: {  	s7 =	sld [smem:$0x3FB3]  }
0x2d: {  	s3 =	simm.s32 $0x108;
	s8 =	sld [smem:$0x3FB4]  }
0x2e: {  	s3 =	simm.s32 @!p0 $0x1082;
	s9 =	sld [smem:$0x3FB5]  }
0x2f: {  	lr =	sadd.s32 s0, s3;
	s0 =	sld [smem:$0x3FAC]  }
0x30: {  	s3 =	sld [smem:$0x3FAF]  }
0x31: {  	[smem:$0x3FB8] =	sst s10  }
0x32: {  	s10 =	sld [smem:$0x3FB6];
	_ =	sdelay $0x3  }
0x33: {  	p0 =	seq.s32 s10, $0x1;
	s10 =	sld [smem:$0x3FB8];
	_ =	sdelay $0x3  }
0x34: {  	[smem:$0x3FB8] =	sst s10  }
0x35: {  	s10 =	sld [smem:$0x3FB7];
	_ =	sdelay $0x3  }
0x36: {  	p1 =	seq.s32 s10, $0x1;
	s10 =	sld [smem:$0x3FB8];
	_ =	sdelay $0x3  }
0x37: {  	[smem:$0x3FB8] =	sst s10  }
0x38: {  	s10 =	sld [smem:$0x3FB9]  }
0x39: {  	_ = 	snop;
	(pc) =	sbr.ind lr, $3  }
0x3a: {  	_ = 	snop  }
0x3b: {  	_ = 	snop  }
0x3c: {  	p2 =	seq.s32 s10, $0x1;
	s10 =	sld [smem:$0x3FB8]  }
0x3d: {  	_ =	shalt  }
0x3e: {  	_ =	shalt  }
0x3f: {  	_ =	shalt  }
0x40: {  	_ =	shalt  }
0x41: {  	_ =	shalt  }
0x42: {  	_ =	shalt  }
0x43: {  	_ =	shalt  }
0x44: {  	_ =	shalt  }
0x45: {  	_ =	shalt  }
0x46: {  	_ =	shalt  }
0x47: {  	_ =	shalt  }
0x48: {  	_ =	shalt  }
0x49: {  	_ =	shalt  }
0x4a: {  	_ =	shalt  }
0x4b: {  	_ =	shalt  }
0x4c: {  	_ =	shalt  }
0x4d: {  	_ =	shalt  }
0x4e: {  	_ =	shalt  }
0x4f: {  	_ =	shalt  }
0x50: {  	_ =	shalt  }
0x51: {  	_ =	shalt  }
0x52: {  	_ =	shalt  }
0x53: {  	_ =	shalt  }
0x54: {  	_ =	shalt  }
0x55: {  	_ =	shalt  }
0x56: {  	_ =	shalt  }
0x57: {  	_ =	shalt  }
0x58: {  	_ =	shalt  }
0x59: {  	_ =	shalt  }
0x5a: {  	_ =	shalt  }
0x5b: {  	_ =	shalt  }
0x5c: {  	_ =	shalt  }
0x5d: {  	_ =	shalt  }
0x5e: {  	_ =	shalt  }
0x5f: {  	_ =	shalt  }
0x60: {  	_ =	shalt  }
0x61: {  	_ =	shalt  }
0x62: {  	_ =	shalt  }
0x63: {  	_ =	shalt  }
0x64: {  	_ =	shalt  }
0x65: {  	_ =	shalt  }
0x66: {  	_ =	shalt  }
0x67: {  	_ =	shalt  }
0x68: {  	_ =	shalt  }
0x69: {  	_ =	shalt  }
0x6a: {  	_ =	shalt  }
0x6b: {  	_ =	shalt  }
0x6c: {  	_ =	shalt  }
0x6d: {  	_ =	shalt  }
0x6e: {  	_ =	shalt  }
0x6f: {  	_ =	shalt  }
0x70: {  	_ =	shalt  }
0x71: {  	_ =	shalt  }
0x72: {  	_ =	shalt  }
0x73: {  	_ =	shalt  }
0x74: {  	_ =	shalt  }
0x75: {  	_ =	shalt  }
0x76: {  	_ =	shalt  }
0x77: {  	_ =	shalt  }
0x78: {  	_ =	shalt  }
0x79: {  	_ =	shalt  }
0x7a: {  	_ =	shalt  }
0x7b: {  	_ =	shalt  }
0x7c: {  	_ =	shalt  }
0x7d: {  	_ =	shalt  }
0x7e: {  	_ =	shalt  }
0x7f: {  	_ =	shalt  }
0x80: {  	_ =	shalt  }
0x81: {  	_ =	shalt  }
0x82: {  	_ =	shalt  }
0x83: {  	_ =	shalt  }
0x84: {  	_ =	shalt  }
0x85: {  	_ =	shalt  }
0x86: {  	_ =	shalt  }
0x87: {  	_ =	shalt  }
.Lfunc_end0:
.L_simem_size_0:
called_computation_lowered:
.L_overlay_start_0:
0x88: {  	s2 =	sld [smem:$0x3FD9]  }
0x89: {  	s3 =	sld [smem:$0x3FFE];
	_ =	sdelay $0x1  }
0x8a: {  	s1 =	srdreg.scid  }
0x8b: {  	s0 =	sand.u32 $0x1, s1  }
0x8c: {  	s18 =	sshll.u32 s0, $0xA;
	s2 =	sadd.s32 s3, s2  }
0x8d: {  	s2 =	sadd.s32 s2, s18  }
0x8e: {  	[smem:$0x3FC4] =	sst s2  }
0x8f: {  	_ = 	snop  }
0x90: {  	s2 =	sld [smem:$0x3FC9]  }
0x91: {  	s19 =	sld [smem:$0x3FC8]  }
0x92: {  	s4 =	sld [smem:$0x3FD0];
	(tm) =	ssettm $0x1  }
0x93: {  	s5 =	sld [smem:$0x3FFB];
	_ =	sdelay $0x3  }
0x94: {  	_ =	strace s5  }
0x95: {  	s5 =	sld [smem:$0x3FFC];
	_ =	sdelay $0x3  }
0x96: {  	_ =	strace s5  }
0x97: {  	s5 =	sld [smem:$0x3FFD];
	_ =	sdelay $0x3  }
0x98: {  	_ =	strace s5  }
0x99: {  	_ =	strace $0x8FFFFFFF  }
0x9a: {  	s20 =	sld [smem:$0x3FDB];
	_ =	sdelay $0x1  }
0x9b: {  	s6 =	simm.s32 $_scs_section_size  }
0x9c: {  	s7 =	simm.s32 $_size__tile_overlayer_lowered;
	s8 =	simm.s32 $_tile_overlayer_lowered  }
0x9d: {  	s23 =	simm.s32 $0x1BFF;
	s22 =	sshll.u32 s8, $0x1;
	s5 =	sadd.s32 s6, s20  }
0x9e: {  	s9 =	simm.s32 $0x0;
	s21 =	sshll.u32 s7, $0x1;
	s7 =	sadd.s32 s22, s5  }
0x9f: {  	[timem:s9], [sflag:s23] =	dma.local [hbm:s7], s21  }
0xa0: {  	_ =	swait.ge [sflag:s23], s21  }
0xa1: {  	s6 =	ssub.s32 $0x0, s21;
	[sflag:s23] =	ssyncset.done $0x0  }
0xa2: {  	[sflag:s23] =	ssyncadd.s32 s6;
	_ =	sdelay $0x1  }
0xa3: {  	s24 =	simm.s32 $0x1B8B  }
0xa4: {  	_ =	swait.ge [sflag:s24], $0x1  }
0xa5: {  	[sflag:s24] =	ssyncset.done $0x0  }
0xa6: {  	s25 =	simm.s32 $0x1B8E;
	[sflag:s24] =	ssyncadd.s32 $0xFFFFFFFF  }
0xa7: {  	s26 =	simm.s32 $execute0_lowered;
	[smem:$0x3FD2] =	sst s25  }
0xa8: {  	s6 =	sshll.u32 s26, $0x1;
	_ =	strace $0x80000046;
	[dreg:$0x1] =	wrdreg $0xFFFFFFFF  }
0xa9: {  	s28 =	simm.s32 $_size_execute0_lowered;
	s5 =	sadd.s32 s5, s6;
	[dreg:$0x0] =	wrdreg $0x0  }
0xaa: {  	s6 =	sshll.u32 s28, $0x1;
	[dreg:$0x2] =	wrdreg s5  }
0xab: {  	[dreg:$0x3] =	wrdreg s6  }
0xac: {  	[dreg:$0x4] =	wrdreg $0xC0  }
0xad: {  	_ =	task [dreg:s9], $0x5FFFF  }
0xae: {  	[dreg:$0x1] =	wrdreg $0xFFFFFFFF  }
0xaf: {  	[dreg:$0x0] =	wrdreg $0x60  }
0xb0: {  	[dreg:$0x2] =	wrdreg s2  }
0xb1: {  	[dreg:$0x3] =	wrdreg s19  }
0xb2: {  	[dreg:$0x4] =	wrdreg s4  }
0xb3: {  	[dreg:$0x5] =	wrdreg $0x9  }
0xb4: {  	_ =	task.clear_ibuf [dreg:s9], $0x6FFFF;
	_ =	strace $0x90000046  }
0xb5: {  	s29 =	simm.s32 $0x9;
	_ =	strace $0x80000048  }
0xb6: {  	_ =	swait.ge [sflag:s29], $0x1  }
0xb7: {  	[sflag:s29] =	ssyncadd.s32 $0xFFFFFFFF  }
0xb8: {  	_ =	strace $0x90000048  }
0xb9: {  	_ =	sfence  }
0xba: {  	s30 =	sld [smem:$0x0];
	_ =	sdelay $0x2  }
0xbb: {  	s31 =	sshll.u32 s1, $0xD;
	s1 =	sshrl.u32 s1, $0x2  }
0xbc: {  	s3 =	sand.u32 $0x4000, s31;
	s1 =	sadd.s32 s1, s30  }
0xbd: {  	s0 =	sor.u32 s3, s0;
	s1 =	sshll.u32 s1, $0x11  }
0xbe: {  	s0 =	sor.u32 s1, s0  }
0xbf: {  	s0 =	sadd.s32 $0x8F2B, s0  }
0xc0: {  	[sflag:s0] =	ssyncadd.remote.s32 $0x1  }
0xc1: {  	_ =	sfence.sel $0xFFFF  }
0xc2: {  	[dreg:$0x0] =	wrdreg $0xFFFFFFFF;
	(pc) =	sbr.abs _section_cstart, $3  }
0xc3: {  	[dreg:$0x1] =	wrdreg $0xFFFFFFFF  }
0xc4: {  	_ =	task.clear_ibuf [dreg:s9], $0x2FFFF;
	_ =	strace $0x9FFFFFFF  }
0xc5: {  	(tm) =	ssettm $0x7FFFFFFF  }
tec
execute0_lowered:
.L_overlay_start_1:
0x0: {  	(tag) =	ssettag $0x1  }
0x1: {  	s1 =	rddreg [dreg:$0x0]  }
0x2: {  	s9 =	rddreg [dreg:$0x1]  }
0x3: {  	s10 =	rddreg [dreg:$0x2]  }
0x4: {  	s0 =	rddreg [dreg:$0x3];
	s3 =	simm.s32 $0x0  }
0x5: {  	s4 =	srdreg.scid;
	s2 =	stileid.u32;
	s19 =	simm.s32 $0x3  }
0x6: {  	s20 =	simm.s32 $0x1C700;
	s21 =	simm.s32 $0x1D700;
	s22 =	simm.s32 $0x1  }
0x7: {  	s23 =	simm.s32 $0x2;
	s24 =	simm.s32 $0x0;
	[smem:$0x7FF] =	sst s3  }
0x8: {  	s4 =	sand.u32 $0x1, s4;
	s5 =	sshll.u32 s2, $0x9;
	s6 =	sshrl.u32 s2, $0x1  }
0x9: {  	s30 =	sadd.s32 $0x1000, s10;
	s15 =	sadd.s32 $0x2000, s10;
	s17 =	sadd.s32 $0x3000, s10  }
0xa: {  	s7 =	sshll.u32 s4, $0x8;
	s5 =	sand.u32 $0x200, s5;
	s8 =	smul.u32 $0xC3800, s6  }
0xb: {  	_ =	strace $0x80000047;
	s4 =	ssub.s32 $0x2, s4;
	s7 =	sor.u32 s7, s5  }
0xc: {  	s11 =	sshll.u32 s6, $0x11;
	s12 =	sshrl.u32 s4, $0x1;
	s5 =	sor.u32 s8, s7  }
0xd: {  	s6 =	sor.u32 s11, s7;
	s14 =	ssub.s32 s4, s12;
	s16 =	sor.u32 $0x80, s7  }
0xe: {  	s5 =	sshrl.u32 s5, $0x3;
	s13 =	sshrl.u32 s6, $0x3;
	s8 =	sor.u32 s8, s16  }
0xf: {  	s11 =	sor.u32 s11, s16;
	s14 =	smax.u32 s14, $0x1;
	s16 =	simm.s32 $0x400  }
0x10: {  	s4 =	sadd.s32 s9, s5;
	s5 =	sadd.s32 s10, s13;
	s6 =	sadd.s32 s13, s30  }
0x11: {  	s7 =	sadd.s32 s13, s15;
	s18 =	sshrl.u32 s8, $0x3;
	s31 =	sshrl.u32 s11, $0x3  }
0x12: {  	s8 =	sadd.s32 s13, s17;
	s9 =	sadd.s32 s9, s18;
	s10 =	sadd.s32 s10, s31  }
0x13: {  	s11 =	sadd.s32 s31, s30;
	s12 =	sadd.s32 s31, s15;
	s13 =	sadd.s32 s31, s17  }
0x14: {  	s15 =	simm.s32 $0x80;
	s17 =	simm.s32 $0x18700;
	s18 =	simm.s32 $0x4  }
.LBB2_1:
0x15: {  	[tilespmem:s3], [sflag:$0x3] =	stream.strided.gather [hbm4b:s4+s15], $0x18700, s16, s15, $0x38;
	[tilespmem:$0x1E700] =	vst v63  }
0x16: {  	_ = 	snop  }
0x17: {  	[tilespmem:s17], [sflag:$0x4] =	stream.linear.gather [hbm4b:s1+s3], $0x4000, $0x38;
	[tilespmem:$0x1E700] =	vst v63  }
0x18: {  	_ =	swait.ge [sflag:s18], $0x4000  }
0x19: {  	[sflag:s18] =	ssyncset.done $0x0  }
0x1a: {  	[sflag:s18] =	ssyncadd.s32 $0xFFFFC000  }
0x1b: {  	_ =	swait.ge [sflag:s19], $0x18700  }
0x1c: {  	[sflag:s19] =	ssyncset.done $0x0  }
0x1d: {  	s25 =	simm.s32 $0x18780;
	[sflag:s19] =	ssyncadd.s32 $0xFFFE7900  }
0x1e: {  	v0 =	vld [tilespmem:s25+$0x70]  }
0x1f: {  	v1 =	vld [tilespmem:s25+$0xFFFFFF90]  }
0x20: {  	v2 =	vld [tilespmem:s25+$0xFFFFFFA0]  }
0x21: {  	v3 =	vld [tilespmem:s25+$0xFFFFFFB0]  }
0x22: {  	v4 =	vld [tilespmem:s25+$0xFFFFFFC0]  }
0x23: {  	v5 =	vld [tilespmem:s25+$0xFFFFFFD0]  }
0x24: {  	v6 =	vld [tilespmem:s25+$0xFFFFFFE0]  }
0x25: {  	v7 =	vld [tilespmem:s25+$0xFFFFFFF0]  }
0x26: {  	v8 =	vld [tilespmem:s25+$0x0]  }
0x27: {  	v9 =	vld [tilespmem:s25+$0x10]  }
0x28: {  	v10 =	vld [tilespmem:s25+$0x20]  }
0x29: {  	v11 =	vld [tilespmem:s25+$0x30]  }
0x2a: {  	v12 =	vld [tilespmem:s25+$0x40]  }
0x2b: {  	v13 =	vld [tilespmem:s25+$0x50]  }
0x2c: {  	v14 =	vld [tilespmem:s25+$0x60]  }
0x2d: {  	v15 =	vld [tilespmem:s25+$0xFFFFFF80]  }
0x2e: {  	v0 =	vld.idx.msk [tilespmem:v0+s3+$0x0], $0xffff  }
0x2f: {  	v1 =	vld.idx.msk [tilespmem:v1+s3+$0x0], $0xffff  }
0x30: {  	v2 =	vld.idx.msk [tilespmem:v2+s3+$0x0], $0xffff  }
0x31: {  	v3 =	vld.idx.msk [tilespmem:v3+s3+$0x0], $0xffff  }
0x32: {  	v4 =	vld.idx.msk [tilespmem:v4+s3+$0x0], $0xffff  }
0x33: {  	s25 =	simm.s32 $0x1C780;
	v5 =	vld.idx.msk [tilespmem:v5+s3+$0x0], $0xffff  }
0x34: {  	v6 =	vld.idx.msk [tilespmem:v6+s3+$0x0], $0xffff;
	[tilespmem:s25+$0x70] =	vst v0  }
0x35: {  	v7 =	vld.idx.msk [tilespmem:v7+s3+$0x0], $0xffff;
	[tilespmem:s25+$0xFFFFFF90] =	vst v1  }
0x36: {  	v15 =	vld.idx.msk [tilespmem:v15+s3+$0x0], $0xffff;
	[tilespmem:s25+$0xFFFFFFA0] =	vst v2  }
0x37: {  	v8 =	vld.idx.msk [tilespmem:v8+s3+$0x0], $0xffff;
	[tilespmem:s25+$0xFFFFFFB0] =	vst v3  }
0x38: {  	[tilespmem:s25+$0xFFFFFFC0] =	vst v4;
	v0 =	vld.idx.msk [tilespmem:v9+s3+$0x0], $0xffff  }
0x39: {  	[tilespmem:s25+$0xFFFFFFD0] =	vst v5;
	v1 =	vld.idx.msk [tilespmem:v10+s3+$0x0], $0xffff  }
0x3a: {  	[tilespmem:s25+$0xFFFFFFE0] =	vst v6;
	v2 =	vld.idx.msk [tilespmem:v11+s3+$0x0], $0xffff  }
0x3b: {  	[tilespmem:s25+$0xFFFFFFF0] =	vst v7;
	v3 =	vld.idx.msk [tilespmem:v12+s3+$0x0], $0xffff  }
0x3c: {  	[tilespmem:s25+$0xFFFFFF80] =	vst v15;
	v4 =	vld.idx.msk [tilespmem:v13+s3+$0x0], $0xffff  }
0x3d: {  	s26 =	simm.s32 $0x0;
	s28 =	simm.s32 $0x18880;
	[tilespmem:s25+$0x0] =	vst v8;
	v5 =	vld.idx.msk [tilespmem:v14+s3+$0x0], $0xffff  }
.LBB2_2:
0x3e: {  	v6 =	vld [tilespmem:s28+$0x70];
	s26 =	sadd.s32 $0x10, s26;
	[tilespmem:s25+$0x10] =	vst v0  }
0x3f: {  	v0 =	vld [tilespmem:s28+$0xFFFFFF90];
	p0 =	slt.u32 s26, $0xF0;
	[tilespmem:s25+$0x20] =	vst v1  }
0x40: {  	v1 =	vld [tilespmem:s28+$0xFFFFFFA0];
	[tilespmem:s25+$0x30] =	vst v2  }
0x41: {  	v2 =	vld [tilespmem:s28+$0xFFFFFFB0];
	[tilespmem:s25+$0x40] =	vst v3  }
0x42: {  	v3 =	vld [tilespmem:s28+$0xFFFFFFC0];
	[tilespmem:s25+$0x50] =	vst v4  }
0x43: {  	v4 =	vld [tilespmem:s28+$0xFFFFFFD0];
	[tilespmem:s25+$0x60] =	vst v5  }
0x44: {  	v5 =	vld [tilespmem:s28+$0xFFFFFFE0]  }
0x45: {  	v7 =	vld [tilespmem:s28+$0xFFFFFFF0]  }
0x46: {  	v6 =	vld.idx.msk [tilespmem:v6+s3+$0x0], $0xffff  }
0x47: {  	v8 =	vld [tilespmem:s28+$0x0]  }
0x48: {  	v9 =	vld [tilespmem:s28+$0x10]  }
0x49: {  	v10 =	vld [tilespmem:s28+$0x20]  }
0x4a: {  	v11 =	vld [tilespmem:s28+$0x30]  }
0x4b: {  	s25 =	sadd.s32 $0x100, s25;
	v12 =	vld [tilespmem:s28+$0x40]  }
0x4c: {  	v13 =	vld [tilespmem:s28+$0x50];
	[tilespmem:s25+$0x70] =	vst v6  }
0x4d: {  	v6 =	vld [tilespmem:s28+$0x60]  }
0x4e: {  	v14 =	vld [tilespmem:s28+$0xFFFFFF80]  }
0x4f: {  	v0 =	vld.idx.msk [tilespmem:v0+s3+$0x0], $0xffff  }
0x50: {  	v1 =	vld.idx.msk [tilespmem:v1+s3+$0x0], $0xffff  }
0x51: {  	v2 =	vld.idx.msk [tilespmem:v2+s3+$0x0], $0xffff  }
0x52: {  	v3 =	vld.idx.msk [tilespmem:v3+s3+$0x0], $0xffff  }
0x53: {  	v4 =	vld.idx.msk [tilespmem:v4+s3+$0x0], $0xffff  }
0x54: {  	v5 =	vld.idx.msk [tilespmem:v5+s3+$0x0], $0xffff  }
0x55: {  	[tilespmem:s25+$0xFFFFFF90] =	vst v0;
	v7 =	vld.idx.msk [tilespmem:v7+s3+$0x0], $0xffff  }
0x56: {  	v14 =	vld.idx.msk [tilespmem:v14+s3+$0x0], $0xffff;
	[tilespmem:s25+$0xFFFFFFA0] =	vst v1  }
0x57: {  	[tilespmem:s25+$0xFFFFFFB0] =	vst v2;
	v8 =	vld.idx.msk [tilespmem:v8+s3+$0x0], $0xffff  }
0x58: {  	[tilespmem:s25+$0xFFFFFFC0] =	vst v3;
	v0 =	vld.idx.msk [tilespmem:v9+s3+$0x0], $0xffff  }
.Ltmp0:
0x59: {  	[tilespmem:s25+$0xFFFFFFD0] =	vst v4;
	v1 =	vld.idx.msk [tilespmem:v10+s3+$0x0], $0xffff;
	(pc) =	sbr.rel @p0 .LBB2_2-.Ltmp0, $4  }
0x5a: {  	[tilespmem:s25+$0xFFFFFFE0] =	vst v5;
	v2 =	vld.idx.msk [tilespmem:v11+s3+$0x0], $0xffff  }
0x5b: {  	[tilespmem:s25+$0xFFFFFFF0] =	vst v7;
	v3 =	vld.idx.msk [tilespmem:v12+s3+$0x0], $0xffff  }
0x5c: {  	[tilespmem:s25+$0xFFFFFF80] =	vst v14;
	v4 =	vld.idx.msk [tilespmem:v13+s3+$0x0], $0xffff  }
0x5d: {  	s28 =	sadd.s32 $0x100, s28;
	[tilespmem:s25+$0x0] =	vst v8;
	v5 =	vld.idx.msk [tilespmem:v6+s3+$0x0], $0xffff  }
0x5e: {  	[tilespmem:s25+$0x10] =	vst v0  }
0x5f: {  	[tilespmem:s25+$0x20] =	vst v1  }
0x60: {  	[tilespmem:s25+$0x30] =	vst v2  }
0x61: {  	[tilespmem:s25+$0x40] =	vst v3  }
0x62: {  	[tilespmem:s25+$0x50] =	vst v4  }
0x63: {  	s31 =	simm.s32 $0x197F0;
	[tilespmem:s25+$0x60] =	vst v5  }
0x64: {  	[hbm4b:s5+s15] =	stream.strided.scatter [tilespmem:s20], [sflag:$0x1], $0x1000, s16, s15, $0x38;
	[tilespmem:$0x1E700] =	vst v63  }
0x65: {  	v0 =	vld [tilespmem:s31+$0x0]  }
0x66: {  	v1 =	vld [tilespmem:s31+$0xFFFFFF20]  }
0x67: {  	v2 =	vld [tilespmem:s31+$0xFFFFFF30]  }
0x68: {  	v3 =	vld [tilespmem:s31+$0xFFFFFF40]  }
0x69: {  	v4 =	vld [tilespmem:s31+$0xFFFFFF50]  }
0x6a: {  	v5 =	vld [tilespmem:s31+$0xFFFFFF60]  }
0x6b: {  	v6 =	vld [tilespmem:s31+$0xFFFFFF70]  }
0x6c: {  	v7 =	vld [tilespmem:s31+$0xFFFFFF80]  }
0x6d: {  	v8 =	vld [tilespmem:s31+$0xFFFFFF90]  }
0x6e: {  	v9 =	vld [tilespmem:s31+$0xFFFFFFA0]  }
0x6f: {  	v10 =	vld [tilespmem:s31+$0xFFFFFFB0]  }
0x70: {  	v11 =	vld [tilespmem:s31+$0xFFFFFFC0]  }
0x71: {  	v12 =	vld [tilespmem:s31+$0xFFFFFFD0]  }
0x72: {  	v13 =	vld [tilespmem:s31+$0xFFFFFFE0]  }
0x73: {  	v14 =	vld [tilespmem:s31+$0xFFFFFFF0]  }
0x74: {  	v15 =	vld [tilespmem:s31+$0xFFFFFF10]  }
0x75: {  	v0 =	vld.idx.msk [tilespmem:v0+s3+$0x0], $0xffff  }
0x76: {  	v1 =	vld.idx.msk [tilespmem:v1+s3+$0x0], $0xffff  }
0x77: {  	v2 =	vld.idx.msk [tilespmem:v2+s3+$0x0], $0xffff  }
0x78: {  	v3 =	vld.idx.msk [tilespmem:v3+s3+$0x0], $0xffff  }
0x79: {  	v4 =	vld.idx.msk [tilespmem:v4+s3+$0x0], $0xffff  }
0x7a: {  	s25 =	simm.s32 $0x1D780;
	v5 =	vld.idx.msk [tilespmem:v5+s3+$0x0], $0xffff  }
0x7b: {  	v6 =	vld.idx.msk [tilespmem:v6+s3+$0x0], $0xffff;
	[tilespmem:s25+$0x70] =	vst v0  }
0x7c: {  	v7 =	vld.idx.msk [tilespmem:v7+s3+$0x0], $0xffff;
	[tilespmem:s25+$0xFFFFFF90] =	vst v1  }
0x7d: {  	v15 =	vld.idx.msk [tilespmem:v15+s3+$0x0], $0xffff;
	[tilespmem:s25+$0xFFFFFFA0] =	vst v2  }
0x7e: {  	v8 =	vld.idx.msk [tilespmem:v8+s3+$0x0], $0xffff;
	[tilespmem:s25+$0xFFFFFFB0] =	vst v3  }
0x7f: {  	[tilespmem:s25+$0xFFFFFFC0] =	vst v4;
	v0 =	vld.idx.msk [tilespmem:v9+s3+$0x0], $0xffff  }
0x80: {  	[tilespmem:s25+$0xFFFFFFD0] =	vst v5;
	v1 =	vld.idx.msk [tilespmem:v10+s3+$0x0], $0xffff  }
0x81: {  	[tilespmem:s25+$0xFFFFFFE0] =	vst v6;
	v2 =	vld.idx.msk [tilespmem:v11+s3+$0x0], $0xffff  }
0x82: {  	[tilespmem:s25+$0xFFFFFFF0] =	vst v7;
	v3 =	vld.idx.msk [tilespmem:v12+s3+$0x0], $0xffff  }
0x83: {  	[tilespmem:s25+$0xFFFFFF80] =	vst v15;
	v4 =	vld.idx.msk [tilespmem:v13+s3+$0x0], $0xffff  }
0x84: {  	s26 =	simm.s32 $0x0;
	s28 =	simm.s32 $0x198F0;
	[tilespmem:s25+$0x0] =	vst v8;
	v5 =	vld.idx.msk [tilespmem:v14+s3+$0x0], $0xffff  }
.LBB2_4:
0x85: {  	v6 =	vld [tilespmem:s28+$0x0];
	s26 =	sadd.s32 $0x10, s26;
	[tilespmem:s25+$0x10] =	vst v0  }
0x86: {  	v0 =	vld [tilespmem:s28+$0xFFFFFF20];
	p0 =	slt.u32 s26, $0xF0;
	[tilespmem:s25+$0x20] =	vst v1  }
0x87: {  	v1 =	vld [tilespmem:s28+$0xFFFFFF30];
	[tilespmem:s25+$0x30] =	vst v2  }
0x88: {  	v2 =	vld [tilespmem:s28+$0xFFFFFF40];
	[tilespmem:s25+$0x40] =	vst v3  }
0x89: {  	v3 =	vld [tilespmem:s28+$0xFFFFFF50];
	[tilespmem:s25+$0x50] =	vst v4  }
0x8a: {  	v4 =	vld [tilespmem:s28+$0xFFFFFF60];
	[tilespmem:s25+$0x60] =	vst v5  }
0x8b: {  	v5 =	vld [tilespmem:s28+$0xFFFFFF70]  }
0x8c: {  	v7 =	vld [tilespmem:s28+$0xFFFFFF80]  }
0x8d: {  	v6 =	vld.idx.msk [tilespmem:v6+s3+$0x0], $0xffff  }
0x8e: {  	v8 =	vld [tilespmem:s28+$0xFFFFFF90]  }
0x8f: {  	v9 =	vld [tilespmem:s28+$0xFFFFFFA0]  }
0x90: {  	v10 =	vld [tilespmem:s28+$0xFFFFFFB0]  }
0x91: {  	v11 =	vld [tilespmem:s28+$0xFFFFFFC0]  }
0x92: {  	s25 =	sadd.s32 $0x100, s25;
	v12 =	vld [tilespmem:s28+$0xFFFFFFD0]  }
0x93: {  	v13 =	vld [tilespmem:s28+$0xFFFFFFE0];
	[tilespmem:s25+$0x70] =	vst v6  }
0x94: {  	v6 =	vld [tilespmem:s28+$0xFFFFFFF0]  }
0x95: {  	v14 =	vld [tilespmem:s28+$0xFFFFFF10]  }
0x96: {  	v0 =	vld.idx.msk [tilespmem:v0+s3+$0x0], $0xffff  }
0x97: {  	v1 =	vld.idx.msk [tilespmem:v1+s3+$0x0], $0xffff  }
0x98: {  	v2 =	vld.idx.msk [tilespmem:v2+s3+$0x0], $0xffff  }
0x99: {  	v3 =	vld.idx.msk [tilespmem:v3+s3+$0x0], $0xffff  }
0x9a: {  	v4 =	vld.idx.msk [tilespmem:v4+s3+$0x0], $0xffff  }
0x9b: {  	v5 =	vld.idx.msk [tilespmem:v5+s3+$0x0], $0xffff  }
0x9c: {  	[tilespmem:s25+$0xFFFFFF90] =	vst v0;
	v7 =	vld.idx.msk [tilespmem:v7+s3+$0x0], $0xffff  }
0x9d: {  	v14 =	vld.idx.msk [tilespmem:v14+s3+$0x0], $0xffff;
	[tilespmem:s25+$0xFFFFFFA0] =	vst v1  }
0x9e: {  	[tilespmem:s25+$0xFFFFFFB0] =	vst v2;
	v8 =	vld.idx.msk [tilespmem:v8+s3+$0x0], $0xffff  }
0x9f: {  	[tilespmem:s25+$0xFFFFFFC0] =	vst v3;
	v0 =	vld.idx.msk [tilespmem:v9+s3+$0x0], $0xffff  }
.Ltmp1:
0xa0: {  	[tilespmem:s25+$0xFFFFFFD0] =	vst v4;
	v1 =	vld.idx.msk [tilespmem:v10+s3+$0x0], $0xffff;
	(pc) =	sbr.rel @p0 .LBB2_4-.Ltmp1, $4  }
0xa1: {  	[tilespmem:s25+$0xFFFFFFE0] =	vst v5;
	v2 =	vld.idx.msk [tilespmem:v11+s3+$0x0], $0xffff  }
0xa2: {  	[tilespmem:s25+$0xFFFFFFF0] =	vst v7;
	v3 =	vld.idx.msk [tilespmem:v12+s3+$0x0], $0xffff  }
0xa3: {  	[tilespmem:s25+$0xFFFFFF80] =	vst v14;
	v4 =	vld.idx.msk [tilespmem:v13+s3+$0x0], $0xffff  }
0xa4: {  	s28 =	sadd.s32 $0x100, s28;
	[tilespmem:s25+$0x0] =	vst v8;
	v5 =	vld.idx.msk [tilespmem:v6+s3+$0x0], $0xffff  }
0xa5: {  	[tilespmem:s25+$0x10] =	vst v0  }
0xa6: {  	[tilespmem:s25+$0x20] =	vst v1  }
0xa7: {  	[tilespmem:s25+$0x30] =	vst v2  }
0xa8: {  	[tilespmem:s25+$0x40] =	vst v3  }
0xa9: {  	[tilespmem:s25+$0x50] =	vst v4  }
0xaa: {  	[tilespmem:s25+$0x60] =	vst v5  }
0xab: {  	[hbm4b:s6+s15] =	stream.strided.scatter [tilespmem:s21], [sflag:$0x2], $0x1000, s16, s15, $0x38;
	[tilespmem:$0x1E700] =	vst v63  }
0xac: {  	_ =	swait.ge [sflag:s22], $0x1000  }
0xad: {  	[sflag:s22] =	ssyncset.done $0x0  }
0xae: {  	s31 =	simm.s32 $0x1A7F0;
	[sflag:s22] =	ssyncadd.s32 $0xFFFFF000  }
0xaf: {  	v0 =	vld [tilespmem:s31+$0x0]  }
0xb0: {  	v1 =	vld [tilespmem:s31+$0xFFFFFF20]  }
0xb1: {  	v2 =	vld [tilespmem:s31+$0xFFFFFF30]  }
0xb2: {  	v3 =	vld [tilespmem:s31+$0xFFFFFF40]  }
0xb3: {  	v4 =	vld [tilespmem:s31+$0xFFFFFF50]  }
0xb4: {  	v5 =	vld [tilespmem:s31+$0xFFFFFF60]  }
0xb5: {  	v6 =	vld [tilespmem:s31+$0xFFFFFF70]  }
0xb6: {  	v7 =	vld [tilespmem:s31+$0xFFFFFF80]  }
0xb7: {  	v8 =	vld [tilespmem:s31+$0xFFFFFF90]  }
0xb8: {  	v9 =	vld [tilespmem:s31+$0xFFFFFFA0]  }
0xb9: {  	v10 =	vld [tilespmem:s31+$0xFFFFFFB0]  }
0xba: {  	v11 =	vld [tilespmem:s31+$0xFFFFFFC0]  }
0xbb: {  	v12 =	vld [tilespmem:s31+$0xFFFFFFD0]  }
0xbc: {  	v13 =	vld [tilespmem:s31+$0xFFFFFFE0]  }
0xbd: {  	v14 =	vld [tilespmem:s31+$0xFFFFFFF0]  }
0xbe: {  	v15 =	vld [tilespmem:s31+$0xFFFFFF10]  }
0xbf: {  	v0 =	vld.idx.msk [tilespmem:v0+s3+$0x0], $0xffff  }
0xc0: {  	v1 =	vld.idx.msk [tilespmem:v1+s3+$0x0], $0xffff  }
0xc1: {  	v2 =	vld.idx.msk [tilespmem:v2+s3+$0x0], $0xffff  }
0xc2: {  	v3 =	vld.idx.msk [tilespmem:v3+s3+$0x0], $0xffff  }
0xc3: {  	v4 =	vld.idx.msk [tilespmem:v4+s3+$0x0], $0xffff  }
0xc4: {  	s25 =	simm.s32 $0x1C780;
	v5 =	vld.idx.msk [tilespmem:v5+s3+$0x0], $0xffff  }
0xc5: {  	v6 =	vld.idx.msk [tilespmem:v6+s3+$0x0], $0xffff;
	[tilespmem:s25+$0x70] =	vst v0  }
0xc6: {  	v7 =	vld.idx.msk [tilespmem:v7+s3+$0x0], $0xffff;
	[tilespmem:s25+$0xFFFFFF90] =	vst v1  }
0xc7: {  	v15 =	vld.idx.msk [tilespmem:v15+s3+$0x0], $0xffff;
	[tilespmem:s25+$0xFFFFFFA0] =	vst v2  }
0xc8: {  	v8 =	vld.idx.msk [tilespmem:v8+s3+$0x0], $0xffff;
	[tilespmem:s25+$0xFFFFFFB0] =	vst v3  }
0xc9: {  	[tilespmem:s25+$0xFFFFFFC0] =	vst v4;
	v0 =	vld.idx.msk [tilespmem:v9+s3+$0x0], $0xffff  }
0xca: {  	[tilespmem:s25+$0xFFFFFFD0] =	vst v5;
	v1 =	vld.idx.msk [tilespmem:v10+s3+$0x0], $0xffff  }
0xcb: {  	[tilespmem:s25+$0xFFFFFFE0] =	vst v6;
	v2 =	vld.idx.msk [tilespmem:v11+s3+$0x0], $0xffff  }
0xcc: {  	[tilespmem:s25+$0xFFFFFFF0] =	vst v7;
	v3 =	vld.idx.msk [tilespmem:v12+s3+$0x0], $0xffff  }
0xcd: {  	[tilespmem:s25+$0xFFFFFF80] =	vst v15;
	v4 =	vld.idx.msk [tilespmem:v13+s3+$0x0], $0xffff  }
0xce: {  	s26 =	simm.s32 $0x0;
	s28 =	simm.s32 $0x1A8F0;
	[tilespmem:s25+$0x0] =	vst v8;
	v5 =	vld.idx.msk [tilespmem:v14+s3+$0x0], $0xffff  }
.LBB2_6:
0xcf: {  	v6 =	vld [tilespmem:s28+$0x0];
	s26 =	sadd.s32 $0x10, s26;
	[tilespmem:s25+$0x10] =	vst v0  }
0xd0: {  	v0 =	vld [tilespmem:s28+$0xFFFFFF20];
	p0 =	slt.u32 s26, $0xF0;
	[tilespmem:s25+$0x20] =	vst v1  }
0xd1: {  	v1 =	vld [tilespmem:s28+$0xFFFFFF30];
	[tilespmem:s25+$0x30] =	vst v2  }
0xd2: {  	v2 =	vld [tilespmem:s28+$0xFFFFFF40];
	[tilespmem:s25+$0x40] =	vst v3  }
0xd3: {  	v3 =	vld [tilespmem:s28+$0xFFFFFF50];
	[tilespmem:s25+$0x50] =	vst v4  }
0xd4: {  	v4 =	vld [tilespmem:s28+$0xFFFFFF60];
	[tilespmem:s25+$0x60] =	vst v5  }
0xd5: {  	v5 =	vld [tilespmem:s28+$0xFFFFFF70]  }
0xd6: {  	v7 =	vld [tilespmem:s28+$0xFFFFFF80]  }
0xd7: {  	v6 =	vld.idx.msk [tilespmem:v6+s3+$0x0], $0xffff  }
0xd8: {  	v8 =	vld [tilespmem:s28+$0xFFFFFF90]  }
0xd9: {  	v9 =	vld [tilespmem:s28+$0xFFFFFFA0]  }
0xda: {  	v10 =	vld [tilespmem:s28+$0xFFFFFFB0]  }
0xdb: {  	v11 =	vld [tilespmem:s28+$0xFFFFFFC0]  }
0xdc: {  	s25 =	sadd.s32 $0x100, s25;
	v12 =	vld [tilespmem:s28+$0xFFFFFFD0]  }
0xdd: {  	v13 =	vld [tilespmem:s28+$0xFFFFFFE0];
	[tilespmem:s25+$0x70] =	vst v6  }
0xde: {  	v6 =	vld [tilespmem:s28+$0xFFFFFFF0]  }
0xdf: {  	v14 =	vld [tilespmem:s28+$0xFFFFFF10]  }
0xe0: {  	v0 =	vld.idx.msk [tilespmem:v0+s3+$0x0], $0xffff  }
0xe1: {  	v1 =	vld.idx.msk [tilespmem:v1+s3+$0x0], $0xffff  }
0xe2: {  	v2 =	vld.idx.msk [tilespmem:v2+s3+$0x0], $0xffff  }
0xe3: {  	v3 =	vld.idx.msk [tilespmem:v3+s3+$0x0], $0xffff  }
0xe4: {  	v4 =	vld.idx.msk [tilespmem:v4+s3+$0x0], $0xffff  }
0xe5: {  	v5 =	vld.idx.msk [tilespmem:v5+s3+$0x0], $0xffff  }
0xe6: {  	[tilespmem:s25+$0xFFFFFF90] =	vst v0;
	v7 =	vld.idx.msk [tilespmem:v7+s3+$0x0], $0xffff  }
0xe7: {  	v14 =	vld.idx.msk [tilespmem:v14+s3+$0x0], $0xffff;
	[tilespmem:s25+$0xFFFFFFA0] =	vst v1  }
0xe8: {  	[tilespmem:s25+$0xFFFFFFB0] =	vst v2;
	v8 =	vld.idx.msk [tilespmem:v8+s3+$0x0], $0xffff  }
0xe9: {  	[tilespmem:s25+$0xFFFFFFC0] =	vst v3;
	v0 =	vld.idx.msk [tilespmem:v9+s3+$0x0], $0xffff  }
.Ltmp2:
0xea: {  	[tilespmem:s25+$0xFFFFFFD0] =	vst v4;
	v1 =	vld.idx.msk [tilespmem:v10+s3+$0x0], $0xffff;
	(pc) =	sbr.rel @p0 .LBB2_6-.Ltmp2, $4  }
0xeb: {  	[tilespmem:s25+$0xFFFFFFE0] =	vst v5;
	v2 =	vld.idx.msk [tilespmem:v11+s3+$0x0], $0xffff  }
0xec: {  	[tilespmem:s25+$0xFFFFFFF0] =	vst v7;
	v3 =	vld.idx.msk [tilespmem:v12+s3+$0x0], $0xffff  }
0xed: {  	[tilespmem:s25+$0xFFFFFF80] =	vst v14;
	v4 =	vld.idx.msk [tilespmem:v13+s3+$0x0], $0xffff  }
0xee: {  	s28 =	sadd.s32 $0x100, s28;
	[tilespmem:s25+$0x0] =	vst v8;
	v5 =	vld.idx.msk [tilespmem:v6+s3+$0x0], $0xffff  }
0xef: {  	[tilespmem:s25+$0x10] =	vst v0  }
0xf0: {  	[tilespmem:s25+$0x20] =	vst v1  }
0xf1: {  	[tilespmem:s25+$0x30] =	vst v2  }
0xf2: {  	[tilespmem:s25+$0x40] =	vst v3  }
0xf3: {  	[tilespmem:s25+$0x50] =	vst v4  }
0xf4: {  	[tilespmem:s25+$0x60] =	vst v5  }
0xf5: {  	[hbm4b:s7+s15] =	stream.strided.scatter [tilespmem:s20], [sflag:$0x1], $0x1000, s16, s15, $0x38;
	[tilespmem:$0x1E700] =	vst v63  }
0xf6: {  	_ =	swait.ge [sflag:s23], $0x1000  }
0xf7: {  	[sflag:s23] =	ssyncset.done $0x0  }
0xf8: {  	s31 =	simm.s32 $0x1B7F0;
	[sflag:s23] =	ssyncadd.s32 $0xFFFFF000  }
0xf9: {  	v0 =	vld [tilespmem:s31+$0x0]  }
0xfa: {  	v1 =	vld [tilespmem:s31+$0xFFFFFF20]  }
0xfb: {  	v2 =	vld [tilespmem:s31+$0xFFFFFF30]  }
0xfc: {  	v3 =	vld [tilespmem:s31+$0xFFFFFF40]  }
0xfd: {  	v4 =	vld [tilespmem:s31+$0xFFFFFF50]  }
0xfe: {  	v5 =	vld [tilespmem:s31+$0xFFFFFF60]  }
0xff: {  	v6 =	vld [tilespmem:s31+$0xFFFFFF70]  }
0x100: {  	v7 =	vld [tilespmem:s31+$0xFFFFFF80]  }
0x101: {  	v8 =	vld [tilespmem:s31+$0xFFFFFF90]  }
0x102: {  	v9 =	vld [tilespmem:s31+$0xFFFFFFA0]  }
0x103: {  	v10 =	vld [tilespmem:s31+$0xFFFFFFB0]  }
0x104: {  	v11 =	vld [tilespmem:s31+$0xFFFFFFC0]  }
0x105: {  	v12 =	vld [tilespmem:s31+$0xFFFFFFD0]  }
0x106: {  	v13 =	vld [tilespmem:s31+$0xFFFFFFE0]  }
0x107: {  	v14 =	vld [tilespmem:s31+$0xFFFFFFF0]  }
0x108: {  	v15 =	vld [tilespmem:s31+$0xFFFFFF10]  }
0x109: {  	v0 =	vld.idx.msk [tilespmem:v0+s3+$0x0], $0xffff  }
0x10a: {  	v1 =	vld.idx.msk [tilespmem:v1+s3+$0x0], $0xffff  }
0x10b: {  	v2 =	vld.idx.msk [tilespmem:v2+s3+$0x0], $0xffff  }
0x10c: {  	v3 =	vld.idx.msk [tilespmem:v3+s3+$0x0], $0xffff  }
0x10d: {  	v4 =	vld.idx.msk [tilespmem:v4+s3+$0x0], $0xffff  }
0x10e: {  	s25 =	simm.s32 $0x1D780;
	v5 =	vld.idx.msk [tilespmem:v5+s3+$0x0], $0xffff  }
0x10f: {  	v6 =	vld.idx.msk [tilespmem:v6+s3+$0x0], $0xffff;
	[tilespmem:s25+$0x70] =	vst v0  }
0x110: {  	v7 =	vld.idx.msk [tilespmem:v7+s3+$0x0], $0xffff;
	[tilespmem:s25+$0xFFFFFF90] =	vst v1  }
0x111: {  	v15 =	vld.idx.msk [tilespmem:v15+s3+$0x0], $0xffff;
	[tilespmem:s25+$0xFFFFFFA0] =	vst v2  }
0x112: {  	v8 =	vld.idx.msk [tilespmem:v8+s3+$0x0], $0xffff;
	[tilespmem:s25+$0xFFFFFFB0] =	vst v3  }
0x113: {  	[tilespmem:s25+$0xFFFFFFC0] =	vst v4;
	v0 =	vld.idx.msk [tilespmem:v9+s3+$0x0], $0xffff  }
0x114: {  	[tilespmem:s25+$0xFFFFFFD0] =	vst v5;
	v1 =	vld.idx.msk [tilespmem:v10+s3+$0x0], $0xffff  }
0x115: {  	[tilespmem:s25+$0xFFFFFFE0] =	vst v6;
	v2 =	vld.idx.msk [tilespmem:v11+s3+$0x0], $0xffff  }
0x116: {  	[tilespmem:s25+$0xFFFFFFF0] =	vst v7;
	v3 =	vld.idx.msk [tilespmem:v12+s3+$0x0], $0xffff  }
0x117: {  	[tilespmem:s25+$0xFFFFFF80] =	vst v15;
	v4 =	vld.idx.msk [tilespmem:v13+s3+$0x0], $0xffff  }
0x118: {  	s26 =	simm.s32 $0x0;
	s28 =	simm.s32 $0x1B8F0;
	[tilespmem:s25+$0x0] =	vst v8;
	v5 =	vld.idx.msk [tilespmem:v14+s3+$0x0], $0xffff  }
.LBB2_8:
0x119: {  	v6 =	vld [tilespmem:s28+$0x0];
	s26 =	sadd.s32 $0x10, s26;
	[tilespmem:s25+$0x10] =	vst v0  }
0x11a: {  	v0 =	vld [tilespmem:s28+$0xFFFFFF20];
	p0 =	slt.u32 s26, $0xF0;
	[tilespmem:s25+$0x20] =	vst v1  }
0x11b: {  	v1 =	vld [tilespmem:s28+$0xFFFFFF30];
	[tilespmem:s25+$0x30] =	vst v2  }
0x11c: {  	v2 =	vld [tilespmem:s28+$0xFFFFFF40];
	[tilespmem:s25+$0x40] =	vst v3  }
0x11d: {  	v3 =	vld [tilespmem:s28+$0xFFFFFF50];
	[tilespmem:s25+$0x50] =	vst v4  }
0x11e: {  	v4 =	vld [tilespmem:s28+$0xFFFFFF60];
	[tilespmem:s25+$0x60] =	vst v5  }
0x11f: {  	v5 =	vld [tilespmem:s28+$0xFFFFFF70]  }
0x120: {  	v7 =	vld [tilespmem:s28+$0xFFFFFF80]  }
0x121: {  	v6 =	vld.idx.msk [tilespmem:v6+s3+$0x0], $0xffff  }
0x122: {  	v8 =	vld [tilespmem:s28+$0xFFFFFF90]  }
0x123: {  	v9 =	vld [tilespmem:s28+$0xFFFFFFA0]  }
0x124: {  	v10 =	vld [tilespmem:s28+$0xFFFFFFB0]  }
0x125: {  	v11 =	vld [tilespmem:s28+$0xFFFFFFC0]  }
0x126: {  	s25 =	sadd.s32 $0x100, s25;
	v12 =	vld [tilespmem:s28+$0xFFFFFFD0]  }
0x127: {  	v13 =	vld [tilespmem:s28+$0xFFFFFFE0];
	[tilespmem:s25+$0x70] =	vst v6  }
0x128: {  	v6 =	vld [tilespmem:s28+$0xFFFFFFF0]  }
0x129: {  	v14 =	vld [tilespmem:s28+$0xFFFFFF10]  }
0x12a: {  	v0 =	vld.idx.msk [tilespmem:v0+s3+$0x0], $0xffff  }
0x12b: {  	v1 =	vld.idx.msk [tilespmem:v1+s3+$0x0], $0xffff  }
0x12c: {  	v2 =	vld.idx.msk [tilespmem:v2+s3+$0x0], $0xffff  }
0x12d: {  	v3 =	vld.idx.msk [tilespmem:v3+s3+$0x0], $0xffff  }
0x12e: {  	v4 =	vld.idx.msk [tilespmem:v4+s3+$0x0], $0xffff  }
0x12f: {  	v5 =	vld.idx.msk [tilespmem:v5+s3+$0x0], $0xffff  }
0x130: {  	[tilespmem:s25+$0xFFFFFF90] =	vst v0;
	v7 =	vld.idx.msk [tilespmem:v7+s3+$0x0], $0xffff  }
0x131: {  	v14 =	vld.idx.msk [tilespmem:v14+s3+$0x0], $0xffff;
	[tilespmem:s25+$0xFFFFFFA0] =	vst v1  }
0x132: {  	[tilespmem:s25+$0xFFFFFFB0] =	vst v2;
	v8 =	vld.idx.msk [tilespmem:v8+s3+$0x0], $0xffff  }
0x133: {  	[tilespmem:s25+$0xFFFFFFC0] =	vst v3;
	v0 =	vld.idx.msk [tilespmem:v9+s3+$0x0], $0xffff  }
.Ltmp3:
0x134: {  	[tilespmem:s25+$0xFFFFFFD0] =	vst v4;
	v1 =	vld.idx.msk [tilespmem:v10+s3+$0x0], $0xffff;
	(pc) =	sbr.rel @p0 .LBB2_8-.Ltmp3, $4  }
0x135: {  	[tilespmem:s25+$0xFFFFFFE0] =	vst v5;
	v2 =	vld.idx.msk [tilespmem:v11+s3+$0x0], $0xffff  }
0x136: {  	[tilespmem:s25+$0xFFFFFFF0] =	vst v7;
	v3 =	vld.idx.msk [tilespmem:v12+s3+$0x0], $0xffff  }
0x137: {  	[tilespmem:s25+$0xFFFFFF80] =	vst v14;
	v4 =	vld.idx.msk [tilespmem:v13+s3+$0x0], $0xffff  }
0x138: {  	s28 =	sadd.s32 $0x100, s28;
	[tilespmem:s25+$0x0] =	vst v8;
	v5 =	vld.idx.msk [tilespmem:v6+s3+$0x0], $0xffff  }
0x139: {  	[tilespmem:s25+$0x10] =	vst v0  }
0x13a: {  	[tilespmem:s25+$0x20] =	vst v1  }
0x13b: {  	[tilespmem:s25+$0x30] =	vst v2  }
0x13c: {  	[tilespmem:s25+$0x40] =	vst v3  }
0x13d: {  	[tilespmem:s25+$0x50] =	vst v4  }
0x13e: {  	[tilespmem:s25+$0x60] =	vst v5  }
0x13f: {  	[hbm4b:s8+s15] =	stream.strided.scatter [tilespmem:s21], [sflag:$0x2], $0x1000, s16, s15, $0x38;
	[tilespmem:$0x1E700] =	vst v63  }
0x140: {  	_ = 	snop  }
0x141: {  	[tilespmem:s3], [sflag:$0x3] =	stream.strided.gather [hbm4b:s9+s15], $0x18700, s16, s15, $0x38;
	[tilespmem:$0x1E700] =	vst v63  }
0x142: {  	_ =	swait.ge [sflag:s19], $0x18700  }
0x143: {  	[sflag:s19] =	ssyncset.done $0x0  }
0x144: {  	[sflag:s19] =	ssyncadd.s32 $0xFFFE7900  }
0x145: {  	_ =	swait.ge [sflag:s22], $0x1000  }
0x146: {  	[sflag:s22] =	ssyncset.done $0x0  }
0x147: {  	s31 =	simm.s32 $0x18780;
	[sflag:s22] =	ssyncadd.s32 $0xFFFFF000  }
0x148: {  	v0 =	vld [tilespmem:s31+$0x70]  }
0x149: {  	v1 =	vld [tilespmem:s31+$0xFFFFFF90]  }
0x14a: {  	v2 =	vld [tilespmem:s31+$0xFFFFFFA0]  }
0x14b: {  	v3 =	vld [tilespmem:s31+$0xFFFFFFB0]  }
0x14c: {  	v4 =	vld [tilespmem:s31+$0xFFFFFFC0]  }
0x14d: {  	v5 =	vld [tilespmem:s31+$0xFFFFFFD0]  }
0x14e: {  	v6 =	vld [tilespmem:s31+$0xFFFFFFE0]  }
0x14f: {  	v7 =	vld [tilespmem:s31+$0xFFFFFFF0]  }
0x150: {  	v8 =	vld [tilespmem:s31+$0x0]  }
0x151: {  	v9 =	vld [tilespmem:s31+$0x10]  }
0x152: {  	v10 =	vld [tilespmem:s31+$0x20]  }
0x153: {  	v11 =	vld [tilespmem:s31+$0x30]  }
0x154: {  	v12 =	vld [tilespmem:s31+$0x40]  }
0x155: {  	v13 =	vld [tilespmem:s31+$0x50]  }
0x156: {  	v14 =	vld [tilespmem:s31+$0x60]  }
0x157: {  	v15 =	vld [tilespmem:s31+$0xFFFFFF80]  }
0x158: {  	v0 =	vld.idx.msk [tilespmem:v0+s3+$0x0], $0xffff  }
0x159: {  	v1 =	vld.idx.msk [tilespmem:v1+s3+$0x0], $0xffff  }
0x15a: {  	v2 =	vld.idx.msk [tilespmem:v2+s3+$0x0], $0xffff  }
0x15b: {  	v3 =	vld.idx.msk [tilespmem:v3+s3+$0x0], $0xffff  }
0x15c: {  	v4 =	vld.idx.msk [tilespmem:v4+s3+$0x0], $0xffff  }
0x15d: {  	s25 =	simm.s32 $0x1C780;
	v5 =	vld.idx.msk [tilespmem:v5+s3+$0x0], $0xffff  }
0x15e: {  	v6 =	vld.idx.msk [tilespmem:v6+s3+$0x0], $0xffff;
	[tilespmem:s25+$0x70] =	vst v0  }
0x15f: {  	v7 =	vld.idx.msk [tilespmem:v7+s3+$0x0], $0xffff;
	[tilespmem:s25+$0xFFFFFF90] =	vst v1  }
0x160: {  	v15 =	vld.idx.msk [tilespmem:v15+s3+$0x0], $0xffff;
	[tilespmem:s25+$0xFFFFFFA0] =	vst v2  }
0x161: {  	v8 =	vld.idx.msk [tilespmem:v8+s3+$0x0], $0xffff;
	[tilespmem:s25+$0xFFFFFFB0] =	vst v3  }
0x162: {  	[tilespmem:s25+$0xFFFFFFC0] =	vst v4;
	v0 =	vld.idx.msk [tilespmem:v9+s3+$0x0], $0xffff  }
0x163: {  	[tilespmem:s25+$0xFFFFFFD0] =	vst v5;
	v1 =	vld.idx.msk [tilespmem:v10+s3+$0x0], $0xffff  }
0x164: {  	[tilespmem:s25+$0xFFFFFFE0] =	vst v6;
	v2 =	vld.idx.msk [tilespmem:v11+s3+$0x0], $0xffff  }
0x165: {  	[tilespmem:s25+$0xFFFFFFF0] =	vst v7;
	v3 =	vld.idx.msk [tilespmem:v12+s3+$0x0], $0xffff  }
0x166: {  	[tilespmem:s25+$0xFFFFFF80] =	vst v15;
	v4 =	vld.idx.msk [tilespmem:v13+s3+$0x0], $0xffff  }
0x167: {  	s26 =	simm.s32 $0x0;
	s28 =	simm.s32 $0x18880;
	[tilespmem:s25+$0x0] =	vst v8;
	v5 =	vld.idx.msk [tilespmem:v14+s3+$0x0], $0xffff  }
.LBB2_10:
0x168: {  	v6 =	vld [tilespmem:s28+$0x70];
	s26 =	sadd.s32 $0x10, s26;
	[tilespmem:s25+$0x10] =	vst v0  }
0x169: {  	v0 =	vld [tilespmem:s28+$0xFFFFFF90];
	p0 =	slt.u32 s26, $0xF0;
	[tilespmem:s25+$0x20] =	vst v1  }
0x16a: {  	v1 =	vld [tilespmem:s28+$0xFFFFFFA0];
	[tilespmem:s25+$0x30] =	vst v2  }
0x16b: {  	v2 =	vld [tilespmem:s28+$0xFFFFFFB0];
	[tilespmem:s25+$0x40] =	vst v3  }
0x16c: {  	v3 =	vld [tilespmem:s28+$0xFFFFFFC0];
	[tilespmem:s25+$0x50] =	vst v4  }
0x16d: {  	v4 =	vld [tilespmem:s28+$0xFFFFFFD0];
	[tilespmem:s25+$0x60] =	vst v5  }
0x16e: {  	v5 =	vld [tilespmem:s28+$0xFFFFFFE0]  }
0x16f: {  	v7 =	vld [tilespmem:s28+$0xFFFFFFF0]  }
0x170: {  	v6 =	vld.idx.msk [tilespmem:v6+s3+$0x0], $0xffff  }
0x171: {  	v8 =	vld [tilespmem:s28+$0x0]  }
0x172: {  	v9 =	vld [tilespmem:s28+$0x10]  }
0x173: {  	v10 =	vld [tilespmem:s28+$0x20]  }
0x174: {  	v11 =	vld [tilespmem:s28+$0x30]  }
0x175: {  	s25 =	sadd.s32 $0x100, s25;
	v12 =	vld [tilespmem:s28+$0x40]  }
0x176: {  	v13 =	vld [tilespmem:s28+$0x50];
	[tilespmem:s25+$0x70] =	vst v6  }
0x177: {  	v6 =	vld [tilespmem:s28+$0x60]  }
0x178: {  	v14 =	vld [tilespmem:s28+$0xFFFFFF80]  }
0x179: {  	v0 =	vld.idx.msk [tilespmem:v0+s3+$0x0], $0xffff  }
0x17a: {  	v1 =	vld.idx.msk [tilespmem:v1+s3+$0x0], $0xffff  }
0x17b: {  	v2 =	vld.idx.msk [tilespmem:v2+s3+$0x0], $0xffff  }
0x17c: {  	v3 =	vld.idx.msk [tilespmem:v3+s3+$0x0], $0xffff  }
0x17d: {  	v4 =	vld.idx.msk [tilespmem:v4+s3+$0x0], $0xffff  }
0x17e: {  	v5 =	vld.idx.msk [tilespmem:v5+s3+$0x0], $0xffff  }
0x17f: {  	[tilespmem:s25+$0xFFFFFF90] =	vst v0;
	v7 =	vld.idx.msk [tilespmem:v7+s3+$0x0], $0xffff  }
0x180: {  	v14 =	vld.idx.msk [tilespmem:v14+s3+$0x0], $0xffff;
	[tilespmem:s25+$0xFFFFFFA0] =	vst v1  }
0x181: {  	[tilespmem:s25+$0xFFFFFFB0] =	vst v2;
	v8 =	vld.idx.msk [tilespmem:v8+s3+$0x0], $0xffff  }
0x182: {  	[tilespmem:s25+$0xFFFFFFC0] =	vst v3;
	v0 =	vld.idx.msk [tilespmem:v9+s3+$0x0], $0xffff  }
.Ltmp4:
0x183: {  	[tilespmem:s25+$0xFFFFFFD0] =	vst v4;
	v1 =	vld.idx.msk [tilespmem:v10+s3+$0x0], $0xffff;
	(pc) =	sbr.rel @p0 .LBB2_10-.Ltmp4, $4  }
0x184: {  	[tilespmem:s25+$0xFFFFFFE0] =	vst v5;
	v2 =	vld.idx.msk [tilespmem:v11+s3+$0x0], $0xffff  }
0x185: {  	[tilespmem:s25+$0xFFFFFFF0] =	vst v7;
	v3 =	vld.idx.msk [tilespmem:v12+s3+$0x0], $0xffff  }
0x186: {  	[tilespmem:s25+$0xFFFFFF80] =	vst v14;
	v4 =	vld.idx.msk [tilespmem:v13+s3+$0x0], $0xffff  }
0x187: {  	s28 =	sadd.s32 $0x100, s28;
	[tilespmem:s25+$0x0] =	vst v8;
	v5 =	vld.idx.msk [tilespmem:v6+s3+$0x0], $0xffff  }
0x188: {  	[tilespmem:s25+$0x10] =	vst v0  }
0x189: {  	[tilespmem:s25+$0x20] =	vst v1  }
0x18a: {  	[tilespmem:s25+$0x30] =	vst v2  }
0x18b: {  	[tilespmem:s25+$0x40] =	vst v3  }
0x18c: {  	[tilespmem:s25+$0x50] =	vst v4  }
0x18d: {  	[tilespmem:s25+$0x60] =	vst v5  }
0x18e: {  	[hbm4b:s10+s15] =	stream.strided.scatter [tilespmem:s20], [sflag:$0x1], $0x1000, s16, s15, $0x38;
	[tilespmem:$0x1E700] =	vst v63  }
0x18f: {  	_ =	swait.ge [sflag:s23], $0x1000  }
0x190: {  	[sflag:s23] =	ssyncset.done $0x0  }
0x191: {  	s31 =	simm.s32 $0x197F0;
	[sflag:s23] =	ssyncadd.s32 $0xFFFFF000  }
0x192: {  	v0 =	vld [tilespmem:s31+$0x0]  }
0x193: {  	v1 =	vld [tilespmem:s31+$0xFFFFFF20]  }
0x194: {  	v2 =	vld [tilespmem:s31+$0xFFFFFF30]  }
0x195: {  	v3 =	vld [tilespmem:s31+$0xFFFFFF40]  }
0x196: {  	v4 =	vld [tilespmem:s31+$0xFFFFFF50]  }
0x197: {  	v5 =	vld [tilespmem:s31+$0xFFFFFF60]  }
0x198: {  	v6 =	vld [tilespmem:s31+$0xFFFFFF70]  }
0x199: {  	v7 =	vld [tilespmem:s31+$0xFFFFFF80]  }
0x19a: {  	v8 =	vld [tilespmem:s31+$0xFFFFFF90]  }
0x19b: {  	v9 =	vld [tilespmem:s31+$0xFFFFFFA0]  }
0x19c: {  	v10 =	vld [tilespmem:s31+$0xFFFFFFB0]  }
0x19d: {  	v11 =	vld [tilespmem:s31+$0xFFFFFFC0]  }
0x19e: {  	v12 =	vld [tilespmem:s31+$0xFFFFFFD0]  }
0x19f: {  	v13 =	vld [tilespmem:s31+$0xFFFFFFE0]  }
0x1a0: {  	v14 =	vld [tilespmem:s31+$0xFFFFFFF0]  }
0x1a1: {  	v15 =	vld [tilespmem:s31+$0xFFFFFF10]  }
0x1a2: {  	v0 =	vld.idx.msk [tilespmem:v0+s3+$0x0], $0xffff  }
0x1a3: {  	v1 =	vld.idx.msk [tilespmem:v1+s3+$0x0], $0xffff  }
0x1a4: {  	v2 =	vld.idx.msk [tilespmem:v2+s3+$0x0], $0xffff  }
0x1a5: {  	v3 =	vld.idx.msk [tilespmem:v3+s3+$0x0], $0xffff  }
0x1a6: {  	v4 =	vld.idx.msk [tilespmem:v4+s3+$0x0], $0xffff  }
0x1a7: {  	s25 =	simm.s32 $0x1D780;
	v5 =	vld.idx.msk [tilespmem:v5+s3+$0x0], $0xffff  }
0x1a8: {  	v6 =	vld.idx.msk [tilespmem:v6+s3+$0x0], $0xffff;
	[tilespmem:s25+$0x70] =	vst v0  }
0x1a9: {  	v7 =	vld.idx.msk [tilespmem:v7+s3+$0x0], $0xffff;
	[tilespmem:s25+$0xFFFFFF90] =	vst v1  }
0x1aa: {  	v15 =	vld.idx.msk [tilespmem:v15+s3+$0x0], $0xffff;
	[tilespmem:s25+$0xFFFFFFA0] =	vst v2  }
0x1ab: {  	v8 =	vld.idx.msk [tilespmem:v8+s3+$0x0], $0xffff;
	[tilespmem:s25+$0xFFFFFFB0] =	vst v3  }
0x1ac: {  	[tilespmem:s25+$0xFFFFFFC0] =	vst v4;
	v0 =	vld.idx.msk [tilespmem:v9+s3+$0x0], $0xffff  }
0x1ad: {  	[tilespmem:s25+$0xFFFFFFD0] =	vst v5;
	v1 =	vld.idx.msk [tilespmem:v10+s3+$0x0], $0xffff  }
0x1ae: {  	[tilespmem:s25+$0xFFFFFFE0] =	vst v6;
	v2 =	vld.idx.msk [tilespmem:v11+s3+$0x0], $0xffff  }
0x1af: {  	[tilespmem:s25+$0xFFFFFFF0] =	vst v7;
	v3 =	vld.idx.msk [tilespmem:v12+s3+$0x0], $0xffff  }
0x1b0: {  	[tilespmem:s25+$0xFFFFFF80] =	vst v15;
	v4 =	vld.idx.msk [tilespmem:v13+s3+$0x0], $0xffff  }
0x1b1: {  	s26 =	simm.s32 $0x0;
	s28 =	simm.s32 $0x198F0;
	[tilespmem:s25+$0x0] =	vst v8;
	v5 =	vld.idx.msk [tilespmem:v14+s3+$0x0], $0xffff  }
.LBB2_12:
0x1b2: {  	v6 =	vld [tilespmem:s28+$0x0];
	s26 =	sadd.s32 $0x10, s26;
	[tilespmem:s25+$0x10] =	vst v0  }
0x1b3: {  	v0 =	vld [tilespmem:s28+$0xFFFFFF20];
	p0 =	slt.u32 s26, $0xF0;
	[tilespmem:s25+$0x20] =	vst v1  }
0x1b4: {  	v1 =	vld [tilespmem:s28+$0xFFFFFF30];
	[tilespmem:s25+$0x30] =	vst v2  }
0x1b5: {  	v2 =	vld [tilespmem:s28+$0xFFFFFF40];
	[tilespmem:s25+$0x40] =	vst v3  }
0x1b6: {  	v3 =	vld [tilespmem:s28+$0xFFFFFF50];
	[tilespmem:s25+$0x50] =	vst v4  }
0x1b7: {  	v4 =	vld [tilespmem:s28+$0xFFFFFF60];
	[tilespmem:s25+$0x60] =	vst v5  }
0x1b8: {  	v5 =	vld [tilespmem:s28+$0xFFFFFF70]  }
0x1b9: {  	v7 =	vld [tilespmem:s28+$0xFFFFFF80]  }
0x1ba: {  	v6 =	vld.idx.msk [tilespmem:v6+s3+$0x0], $0xffff  }
0x1bb: {  	v8 =	vld [tilespmem:s28+$0xFFFFFF90]  }
0x1bc: {  	v9 =	vld [tilespmem:s28+$0xFFFFFFA0]  }
0x1bd: {  	v10 =	vld [tilespmem:s28+$0xFFFFFFB0]  }
0x1be: {  	v11 =	vld [tilespmem:s28+$0xFFFFFFC0]  }
0x1bf: {  	s25 =	sadd.s32 $0x100, s25;
	v12 =	vld [tilespmem:s28+$0xFFFFFFD0]  }
0x1c0: {  	v13 =	vld [tilespmem:s28+$0xFFFFFFE0];
	[tilespmem:s25+$0x70] =	vst v6  }
0x1c1: {  	v6 =	vld [tilespmem:s28+$0xFFFFFFF0]  }
0x1c2: {  	v14 =	vld [tilespmem:s28+$0xFFFFFF10]  }
0x1c3: {  	v0 =	vld.idx.msk [tilespmem:v0+s3+$0x0], $0xffff  }
0x1c4: {  	v1 =	vld.idx.msk [tilespmem:v1+s3+$0x0], $0xffff  }
0x1c5: {  	v2 =	vld.idx.msk [tilespmem:v2+s3+$0x0], $0xffff  }
0x1c6: {  	v3 =	vld.idx.msk [tilespmem:v3+s3+$0x0], $0xffff  }
0x1c7: {  	v4 =	vld.idx.msk [tilespmem:v4+s3+$0x0], $0xffff  }
0x1c8: {  	v5 =	vld.idx.msk [tilespmem:v5+s3+$0x0], $0xffff  }
0x1c9: {  	[tilespmem:s25+$0xFFFFFF90] =	vst v0;
	v7 =	vld.idx.msk [tilespmem:v7+s3+$0x0], $0xffff  }
0x1ca: {  	v14 =	vld.idx.msk [tilespmem:v14+s3+$0x0], $0xffff;
	[tilespmem:s25+$0xFFFFFFA0] =	vst v1  }
0x1cb: {  	[tilespmem:s25+$0xFFFFFFB0] =	vst v2;
	v8 =	vld.idx.msk [tilespmem:v8+s3+$0x0], $0xffff  }
0x1cc: {  	[tilespmem:s25+$0xFFFFFFC0] =	vst v3;
	v0 =	vld.idx.msk [tilespmem:v9+s3+$0x0], $0xffff  }
.Ltmp5:
0x1cd: {  	[tilespmem:s25+$0xFFFFFFD0] =	vst v4;
	v1 =	vld.idx.msk [tilespmem:v10+s3+$0x0], $0xffff;
	(pc) =	sbr.rel @p0 .LBB2_12-.Ltmp5, $4  }
0x1ce: {  	[tilespmem:s25+$0xFFFFFFE0] =	vst v5;
	v2 =	vld.idx.msk [tilespmem:v11+s3+$0x0], $0xffff  }
0x1cf: {  	[tilespmem:s25+$0xFFFFFFF0] =	vst v7;
	v3 =	vld.idx.msk [tilespmem:v12+s3+$0x0], $0xffff  }
0x1d0: {  	[tilespmem:s25+$0xFFFFFF80] =	vst v14;
	v4 =	vld.idx.msk [tilespmem:v13+s3+$0x0], $0xffff  }
0x1d1: {  	s28 =	sadd.s32 $0x100, s28;
	[tilespmem:s25+$0x0] =	vst v8;
	v5 =	vld.idx.msk [tilespmem:v6+s3+$0x0], $0xffff  }
0x1d2: {  	[tilespmem:s25+$0x10] =	vst v0  }
0x1d3: {  	[tilespmem:s25+$0x20] =	vst v1  }
0x1d4: {  	[tilespmem:s25+$0x30] =	vst v2  }
0x1d5: {  	[tilespmem:s25+$0x40] =	vst v3  }
0x1d6: {  	[tilespmem:s25+$0x50] =	vst v4  }
0x1d7: {  	[tilespmem:s25+$0x60] =	vst v5  }
0x1d8: {  	[hbm4b:s11+s15] =	stream.strided.scatter [tilespmem:s21], [sflag:$0x2], $0x1000, s16, s15, $0x38;
	[tilespmem:$0x1E700] =	vst v63  }
0x1d9: {  	_ =	swait.ge [sflag:s22], $0x1000  }
0x1da: {  	[sflag:s22] =	ssyncset.done $0x0  }
0x1db: {  	s31 =	simm.s32 $0x1A7F0;
	[sflag:s22] =	ssyncadd.s32 $0xFFFFF000  }
0x1dc: {  	v0 =	vld [tilespmem:s31+$0x0]  }
0x1dd: {  	v1 =	vld [tilespmem:s31+$0xFFFFFF20]  }
0x1de: {  	v2 =	vld [tilespmem:s31+$0xFFFFFF30]  }
0x1df: {  	v3 =	vld [tilespmem:s31+$0xFFFFFF40]  }
0x1e0: {  	v4 =	vld [tilespmem:s31+$0xFFFFFF50]  }
0x1e1: {  	v5 =	vld [tilespmem:s31+$0xFFFFFF60]  }
0x1e2: {  	v6 =	vld [tilespmem:s31+$0xFFFFFF70]  }
0x1e3: {  	v7 =	vld [tilespmem:s31+$0xFFFFFF80]  }
0x1e4: {  	v8 =	vld [tilespmem:s31+$0xFFFFFF90]  }
0x1e5: {  	v9 =	vld [tilespmem:s31+$0xFFFFFFA0]  }
0x1e6: {  	v10 =	vld [tilespmem:s31+$0xFFFFFFB0]  }
0x1e7: {  	v11 =	vld [tilespmem:s31+$0xFFFFFFC0]  }
0x1e8: {  	v12 =	vld [tilespmem:s31+$0xFFFFFFD0]  }
0x1e9: {  	v13 =	vld [tilespmem:s31+$0xFFFFFFE0]  }
0x1ea: {  	v14 =	vld [tilespmem:s31+$0xFFFFFFF0]  }
0x1eb: {  	v15 =	vld [tilespmem:s31+$0xFFFFFF10]  }
0x1ec: {  	v0 =	vld.idx.msk [tilespmem:v0+s3+$0x0], $0xffff  }
0x1ed: {  	v1 =	vld.idx.msk [tilespmem:v1+s3+$0x0], $0xffff  }
0x1ee: {  	v2 =	vld.idx.msk [tilespmem:v2+s3+$0x0], $0xffff  }
0x1ef: {  	v3 =	vld.idx.msk [tilespmem:v3+s3+$0x0], $0xffff  }
0x1f0: {  	v4 =	vld.idx.msk [tilespmem:v4+s3+$0x0], $0xffff  }
0x1f1: {  	s25 =	simm.s32 $0x1C780;
	v5 =	vld.idx.msk [tilespmem:v5+s3+$0x0], $0xffff  }
0x1f2: {  	v6 =	vld.idx.msk [tilespmem:v6+s3+$0x0], $0xffff;
	[tilespmem:s25+$0x70] =	vst v0  }
0x1f3: {  	v7 =	vld.idx.msk [tilespmem:v7+s3+$0x0], $0xffff;
	[tilespmem:s25+$0xFFFFFF90] =	vst v1  }
0x1f4: {  	v15 =	vld.idx.msk [tilespmem:v15+s3+$0x0], $0xffff;
	[tilespmem:s25+$0xFFFFFFA0] =	vst v2  }
0x1f5: {  	v8 =	vld.idx.msk [tilespmem:v8+s3+$0x0], $0xffff;
	[tilespmem:s25+$0xFFFFFFB0] =	vst v3  }
0x1f6: {  	[tilespmem:s25+$0xFFFFFFC0] =	vst v4;
	v0 =	vld.idx.msk [tilespmem:v9+s3+$0x0], $0xffff  }
0x1f7: {  	[tilespmem:s25+$0xFFFFFFD0] =	vst v5;
	v1 =	vld.idx.msk [tilespmem:v10+s3+$0x0], $0xffff  }
0x1f8: {  	[tilespmem:s25+$0xFFFFFFE0] =	vst v6;
	v2 =	vld.idx.msk [tilespmem:v11+s3+$0x0], $0xffff  }
0x1f9: {  	[tilespmem:s25+$0xFFFFFFF0] =	vst v7;
	v3 =	vld.idx.msk [tilespmem:v12+s3+$0x0], $0xffff  }
0x1fa: {  	[tilespmem:s25+$0xFFFFFF80] =	vst v15;
	v4 =	vld.idx.msk [tilespmem:v13+s3+$0x0], $0xffff  }
0x1fb: {  	s26 =	simm.s32 $0x0;
	s28 =	simm.s32 $0x1A8F0;
	[tilespmem:s25+$0x0] =	vst v8;
	v5 =	vld.idx.msk [tilespmem:v14+s3+$0x0], $0xffff  }
.LBB2_14:
0x1fc: {  	v6 =	vld [tilespmem:s28+$0x0];
	s26 =	sadd.s32 $0x10, s26;
	[tilespmem:s25+$0x10] =	vst v0  }
0x1fd: {  	v0 =	vld [tilespmem:s28+$0xFFFFFF20];
	p0 =	slt.u32 s26, $0xF0;
	[tilespmem:s25+$0x20] =	vst v1  }
0x1fe: {  	v1 =	vld [tilespmem:s28+$0xFFFFFF30];
	[tilespmem:s25+$0x30] =	vst v2  }
0x1ff: {  	v2 =	vld [tilespmem:s28+$0xFFFFFF40];
	[tilespmem:s25+$0x40] =	vst v3  }
0x200: {  	v3 =	vld [tilespmem:s28+$0xFFFFFF50];
	[tilespmem:s25+$0x50] =	vst v4  }
0x201: {  	v4 =	vld [tilespmem:s28+$0xFFFFFF60];
	[tilespmem:s25+$0x60] =	vst v5  }
0x202: {  	v5 =	vld [tilespmem:s28+$0xFFFFFF70]  }
0x203: {  	v7 =	vld [tilespmem:s28+$0xFFFFFF80]  }
0x204: {  	v6 =	vld.idx.msk [tilespmem:v6+s3+$0x0], $0xffff  }
0x205: {  	v8 =	vld [tilespmem:s28+$0xFFFFFF90]  }
0x206: {  	v9 =	vld [tilespmem:s28+$0xFFFFFFA0]  }
0x207: {  	v10 =	vld [tilespmem:s28+$0xFFFFFFB0]  }
0x208: {  	v11 =	vld [tilespmem:s28+$0xFFFFFFC0]  }
0x209: {  	s25 =	sadd.s32 $0x100, s25;
	v12 =	vld [tilespmem:s28+$0xFFFFFFD0]  }
0x20a: {  	v13 =	vld [tilespmem:s28+$0xFFFFFFE0];
	[tilespmem:s25+$0x70] =	vst v6  }
0x20b: {  	v6 =	vld [tilespmem:s28+$0xFFFFFFF0]  }
0x20c: {  	v14 =	vld [tilespmem:s28+$0xFFFFFF10]  }
0x20d: {  	v0 =	vld.idx.msk [tilespmem:v0+s3+$0x0], $0xffff  }
0x20e: {  	v1 =	vld.idx.msk [tilespmem:v1+s3+$0x0], $0xffff  }
0x20f: {  	v2 =	vld.idx.msk [tilespmem:v2+s3+$0x0], $0xffff  }
0x210: {  	v3 =	vld.idx.msk [tilespmem:v3+s3+$0x0], $0xffff  }
0x211: {  	v4 =	vld.idx.msk [tilespmem:v4+s3+$0x0], $0xffff  }
0x212: {  	v5 =	vld.idx.msk [tilespmem:v5+s3+$0x0], $0xffff  }
0x213: {  	[tilespmem:s25+$0xFFFFFF90] =	vst v0;
	v7 =	vld.idx.msk [tilespmem:v7+s3+$0x0], $0xffff  }
0x214: {  	v14 =	vld.idx.msk [tilespmem:v14+s3+$0x0], $0xffff;
	[tilespmem:s25+$0xFFFFFFA0] =	vst v1  }
0x215: {  	[tilespmem:s25+$0xFFFFFFB0] =	vst v2;
	v8 =	vld.idx.msk [tilespmem:v8+s3+$0x0], $0xffff  }
0x216: {  	[tilespmem:s25+$0xFFFFFFC0] =	vst v3;
	v0 =	vld.idx.msk [tilespmem:v9+s3+$0x0], $0xffff  }
.Ltmp6:
0x217: {  	[tilespmem:s25+$0xFFFFFFD0] =	vst v4;
	v1 =	vld.idx.msk [tilespmem:v10+s3+$0x0], $0xffff;
	(pc) =	sbr.rel @p0 .LBB2_14-.Ltmp6, $4  }
0x218: {  	[tilespmem:s25+$0xFFFFFFE0] =	vst v5;
	v2 =	vld.idx.msk [tilespmem:v11+s3+$0x0], $0xffff  }
0x219: {  	[tilespmem:s25+$0xFFFFFFF0] =	vst v7;
	v3 =	vld.idx.msk [tilespmem:v12+s3+$0x0], $0xffff  }
0x21a: {  	[tilespmem:s25+$0xFFFFFF80] =	vst v14;
	v4 =	vld.idx.msk [tilespmem:v13+s3+$0x0], $0xffff  }
0x21b: {  	s28 =	sadd.s32 $0x100, s28;
	[tilespmem:s25+$0x0] =	vst v8;
	v5 =	vld.idx.msk [tilespmem:v6+s3+$0x0], $0xffff  }
0x21c: {  	[tilespmem:s25+$0x10] =	vst v0  }
0x21d: {  	[tilespmem:s25+$0x20] =	vst v1  }
0x21e: {  	[tilespmem:s25+$0x30] =	vst v2  }
0x21f: {  	[tilespmem:s25+$0x40] =	vst v3  }
0x220: {  	[tilespmem:s25+$0x50] =	vst v4  }
0x221: {  	[tilespmem:s25+$0x60] =	vst v5  }
0x222: {  	[hbm4b:s12+s15] =	stream.strided.scatter [tilespmem:s20], [sflag:$0x1], $0x1000, s16, s15, $0x38;
	[tilespmem:$0x1E700] =	vst v63  }
0x223: {  	_ =	swait.ge [sflag:s23], $0x1000  }
0x224: {  	[sflag:s23] =	ssyncset.done $0x0  }
0x225: {  	s31 =	simm.s32 $0x1B7F0;
	[sflag:s23] =	ssyncadd.s32 $0xFFFFF000  }
0x226: {  	v0 =	vld [tilespmem:s31+$0x0]  }
0x227: {  	v1 =	vld [tilespmem:s31+$0xFFFFFF20]  }
0x228: {  	v2 =	vld [tilespmem:s31+$0xFFFFFF30]  }
0x229: {  	v3 =	vld [tilespmem:s31+$0xFFFFFF40]  }
0x22a: {  	v4 =	vld [tilespmem:s31+$0xFFFFFF50]  }
0x22b: {  	v5 =	vld [tilespmem:s31+$0xFFFFFF60]  }
0x22c: {  	v6 =	vld [tilespmem:s31+$0xFFFFFF70]  }
0x22d: {  	v7 =	vld [tilespmem:s31+$0xFFFFFF80]  }
0x22e: {  	v8 =	vld [tilespmem:s31+$0xFFFFFF90]  }
0x22f: {  	v9 =	vld [tilespmem:s31+$0xFFFFFFA0]  }
0x230: {  	v10 =	vld [tilespmem:s31+$0xFFFFFFB0]  }
0x231: {  	v11 =	vld [tilespmem:s31+$0xFFFFFFC0]  }
0x232: {  	v12 =	vld [tilespmem:s31+$0xFFFFFFD0]  }
0x233: {  	v13 =	vld [tilespmem:s31+$0xFFFFFFE0]  }
0x234: {  	v14 =	vld [tilespmem:s31+$0xFFFFFFF0]  }
0x235: {  	v15 =	vld [tilespmem:s31+$0xFFFFFF10]  }
0x236: {  	v0 =	vld.idx.msk [tilespmem:v0+s3+$0x0], $0xffff  }
0x237: {  	v1 =	vld.idx.msk [tilespmem:v1+s3+$0x0], $0xffff  }
0x238: {  	v2 =	vld.idx.msk [tilespmem:v2+s3+$0x0], $0xffff  }
0x239: {  	v3 =	vld.idx.msk [tilespmem:v3+s3+$0x0], $0xffff  }
0x23a: {  	v4 =	vld.idx.msk [tilespmem:v4+s3+$0x0], $0xffff  }
0x23b: {  	s25 =	simm.s32 $0x1D780;
	v5 =	vld.idx.msk [tilespmem:v5+s3+$0x0], $0xffff  }
0x23c: {  	v6 =	vld.idx.msk [tilespmem:v6+s3+$0x0], $0xffff;
	[tilespmem:s25+$0x70] =	vst v0  }
0x23d: {  	v7 =	vld.idx.msk [tilespmem:v7+s3+$0x0], $0xffff;
	[tilespmem:s25+$0xFFFFFF90] =	vst v1  }
0x23e: {  	v15 =	vld.idx.msk [tilespmem:v15+s3+$0x0], $0xffff;
	[tilespmem:s25+$0xFFFFFFA0] =	vst v2  }
0x23f: {  	v8 =	vld.idx.msk [tilespmem:v8+s3+$0x0], $0xffff;
	[tilespmem:s25+$0xFFFFFFB0] =	vst v3  }
0x240: {  	[tilespmem:s25+$0xFFFFFFC0] =	vst v4;
	v0 =	vld.idx.msk [tilespmem:v9+s3+$0x0], $0xffff  }
0x241: {  	[tilespmem:s25+$0xFFFFFFD0] =	vst v5;
	v1 =	vld.idx.msk [tilespmem:v10+s3+$0x0], $0xffff  }
0x242: {  	[tilespmem:s25+$0xFFFFFFE0] =	vst v6;
	v2 =	vld.idx.msk [tilespmem:v11+s3+$0x0], $0xffff  }
0x243: {  	[tilespmem:s25+$0xFFFFFFF0] =	vst v7;
	v3 =	vld.idx.msk [tilespmem:v12+s3+$0x0], $0xffff  }
0x244: {  	[tilespmem:s25+$0xFFFFFF80] =	vst v15;
	v4 =	vld.idx.msk [tilespmem:v13+s3+$0x0], $0xffff  }
0x245: {  	s26 =	simm.s32 $0x0;
	s28 =	simm.s32 $0x1B8F0;
	[tilespmem:s25+$0x0] =	vst v8;
	v5 =	vld.idx.msk [tilespmem:v14+s3+$0x0], $0xffff  }
.LBB2_16:
0x246: {  	v6 =	vld [tilespmem:s28+$0x0];
	s26 =	sadd.s32 $0x10, s26;
	[tilespmem:s25+$0x10] =	vst v0  }
0x247: {  	v0 =	vld [tilespmem:s28+$0xFFFFFF20];
	p0 =	slt.u32 s26, $0xF0;
	[tilespmem:s25+$0x20] =	vst v1  }
0x248: {  	v1 =	vld [tilespmem:s28+$0xFFFFFF30];
	[tilespmem:s25+$0x30] =	vst v2  }
0x249: {  	v2 =	vld [tilespmem:s28+$0xFFFFFF40];
	[tilespmem:s25+$0x40] =	vst v3  }
0x24a: {  	v3 =	vld [tilespmem:s28+$0xFFFFFF50];
	[tilespmem:s25+$0x50] =	vst v4  }
0x24b: {  	v4 =	vld [tilespmem:s28+$0xFFFFFF60];
	[tilespmem:s25+$0x60] =	vst v5  }
0x24c: {  	v5 =	vld [tilespmem:s28+$0xFFFFFF70]  }
0x24d: {  	v7 =	vld [tilespmem:s28+$0xFFFFFF80]  }
0x24e: {  	v6 =	vld.idx.msk [tilespmem:v6+s3+$0x0], $0xffff  }
0x24f: {  	v8 =	vld [tilespmem:s28+$0xFFFFFF90]  }
0x250: {  	v9 =	vld [tilespmem:s28+$0xFFFFFFA0]  }
0x251: {  	v10 =	vld [tilespmem:s28+$0xFFFFFFB0]  }
0x252: {  	v11 =	vld [tilespmem:s28+$0xFFFFFFC0]  }
0x253: {  	s25 =	sadd.s32 $0x100, s25;
	v12 =	vld [tilespmem:s28+$0xFFFFFFD0]  }
0x254: {  	v13 =	vld [tilespmem:s28+$0xFFFFFFE0];
	[tilespmem:s25+$0x70] =	vst v6  }
0x255: {  	v6 =	vld [tilespmem:s28+$0xFFFFFFF0]  }
0x256: {  	v14 =	vld [tilespmem:s28+$0xFFFFFF10]  }
0x257: {  	v0 =	vld.idx.msk [tilespmem:v0+s3+$0x0], $0xffff  }
0x258: {  	v1 =	vld.idx.msk [tilespmem:v1+s3+$0x0], $0xffff  }
0x259: {  	v2 =	vld.idx.msk [tilespmem:v2+s3+$0x0], $0xffff  }
0x25a: {  	v3 =	vld.idx.msk [tilespmem:v3+s3+$0x0], $0xffff  }
0x25b: {  	v4 =	vld.idx.msk [tilespmem:v4+s3+$0x0], $0xffff  }
0x25c: {  	v5 =	vld.idx.msk [tilespmem:v5+s3+$0x0], $0xffff  }
0x25d: {  	[tilespmem:s25+$0xFFFFFF90] =	vst v0;
	v7 =	vld.idx.msk [tilespmem:v7+s3+$0x0], $0xffff  }
0x25e: {  	v14 =	vld.idx.msk [tilespmem:v14+s3+$0x0], $0xffff;
	[tilespmem:s25+$0xFFFFFFA0] =	vst v1  }
0x25f: {  	[tilespmem:s25+$0xFFFFFFB0] =	vst v2;
	v8 =	vld.idx.msk [tilespmem:v8+s3+$0x0], $0xffff  }
0x260: {  	[tilespmem:s25+$0xFFFFFFC0] =	vst v3;
	v0 =	vld.idx.msk [tilespmem:v9+s3+$0x0], $0xffff  }
.Ltmp7:
0x261: {  	[tilespmem:s25+$0xFFFFFFD0] =	vst v4;
	v1 =	vld.idx.msk [tilespmem:v10+s3+$0x0], $0xffff;
	(pc) =	sbr.rel @p0 .LBB2_16-.Ltmp7, $4  }
0x262: {  	[tilespmem:s25+$0xFFFFFFE0] =	vst v5;
	v2 =	vld.idx.msk [tilespmem:v11+s3+$0x0], $0xffff  }
0x263: {  	[tilespmem:s25+$0xFFFFFFF0] =	vst v7;
	v3 =	vld.idx.msk [tilespmem:v12+s3+$0x0], $0xffff  }
0x264: {  	[tilespmem:s25+$0xFFFFFF80] =	vst v14;
	v4 =	vld.idx.msk [tilespmem:v13+s3+$0x0], $0xffff  }
0x265: {  	s28 =	sadd.s32 $0x100, s28;
	[tilespmem:s25+$0x0] =	vst v8;
	v5 =	vld.idx.msk [tilespmem:v6+s3+$0x0], $0xffff  }
0x266: {  	[tilespmem:s25+$0x10] =	vst v0  }
0x267: {  	[tilespmem:s25+$0x20] =	vst v1  }
0x268: {  	[tilespmem:s25+$0x30] =	vst v2  }
0x269: {  	[tilespmem:s25+$0x40] =	vst v3  }
0x26a: {  	[tilespmem:s25+$0x50] =	vst v4  }
0x26b: {  	s24 =	sadd.s32 $0x1, s24;
	[tilespmem:s25+$0x60] =	vst v5  }
0x26c: {  	[hbm4b:s13+s15] =	stream.strided.scatter [tilespmem:s21], [sflag:$0x2], $0x1000, s16, s15, $0x38;
	[tilespmem:$0x1E700] =	vst v63  }
0x26d: {  	p0 =	sne.s32 s24, s14;
	_ =	swait.ge [sflag:s22], $0x1000  }
.Ltmp8:
0x26e: {  	[sflag:s22] =	ssyncset.done $0x0;
	(pc) =	sbr.rel @p0 .LBB2_1-.Ltmp8, $4  }
0x26f: {  	[sflag:s22] =	ssyncadd.s32 $0xFFFFF000  }
0x270: {  	_ =	swait.ge [sflag:s23], $0x1000  }
0x271: {  	[sflag:s23] =	ssyncset.done $0x0  }
0x272: {  	[sflag:s23] =	ssyncadd.s32 $0xFFFFF000  }
0x273: {  	_ =	sfence.sel $0x180000  }
0x274: {  	[bflag:$0x0] =	sbarrier.arrive $0xFFFF  }
0x275: {  	p0 =	sne.s32 s2, $0x0;
	_ =	strace $0x90000047  }
0x276: {  	s0 =	sadd.s32 @!p0 $0x100000, s0;
	[bflag:$0x2] =	sbarrier.arrive $0xFFFF  }
0x277: {  	[sflag:s0] =	ssyncadd.tile.s32 @!p0 $0x1;
	_ =	shalt  }
.Lfunc_end2:
_tile_overlayer_lowered:
.L_overlay_start_2:
0x278: {  	(tag) =	ssettag $0x2  }
0x279: {  	s0 =	rddreg [dreg:$0x0];
	s2 =	stileid.u32  }
0x27a: {  	s1 =	rddreg [dreg:$0x1];
	p0 =	sne.s32 s2, $0x0  }
0x27b: {  	s3 =	rddreg [dreg:$0x2];
	[bflag:$0x3] =	sbarrier.arrive $0xFFFF;
	s2 =	simm.s32 @!p0 $0x1C04  }
0x27c: {  	[timem:s3], [sflag:s2] =	dma.local @!p0 [hbm:s0], s1  }
0x27d: {  	s0 =	simm.s32 @!p0 $0x4  }
0x27e: {  	_ =	swait.ge @!p0 [sflag:s0], s1  }
0x27f: {  	s1 =	ssub.s32 @!p0 $0x0, s1;
	[sflag:s0] =	ssyncset.done @!p0 $0x0  }
0x280: {  	[sflag:s0] =	ssyncadd.s32 @!p0 s1  }
0x281: {  	[bflag:$0x3] =	sbarrier.arrive $0xFFFF  }
0x282: {  	_ =	shalt  }

</sc_bundles>
